<compile_context>
chip_gen: v7x
topology: tpu7x:2x2x1
jax: 0.10.2.dev20260603
libtpu: 0.0.44.dev20260713+nightly
codegen_flags: <defaults>
</compile_context>

<pallas_src>
import functools

import jax
import jax.numpy as jnp
from jax import lax
from jax.experimental import pallas as pl
from jax.experimental.pallas import tpu as pltpu
from jax.experimental.pallas import tpu_sc as plsc

N = 10000
D = 128
C = 40
CP = 48
E = 320000

NC = 2
NS = 16
NW = NC * NS
BATCH = 128
EPB = ((E + NW * BATCH * 8 - 1) // (NW * BATCH * 8)) * 8
E_PAD = NW * BATCH * EPB
N_ACC = 10240
ROWS_PT = N_ACC // NS

_MESH = plsc.VectorSubcoreMesh(
    core_axis_name="c", subcore_axis_name="s", num_cores=NC, num_subcores=NS)


@functools.partial(
    pl.kernel,
    out_type=jax.ShapeDtypeStruct((NC, N_ACC), jnp.float32),
    mesh=_MESH,
    scratch_types=[
        pltpu.VMEM((EPB, BATCH), jnp.int32),
        pltpu.VMEM((BATCH,), jnp.float32),
        pltpu.VMEM((ROWS_PT,), jnp.float32),
        pltpu.VMEM_SHARED((N_ACC,), jnp.float32),
    ],
    compiler_params=pltpu.CompilerParams(use_tc_tiling_on_sc=False),
)
def _sc_deg(col_hbm, out_hbm, colb, ones, zb, acc):
    cid = lax.axis_index("c")
    sid = lax.axis_index("s")
    wid = cid * NS + sid
    zero16 = jnp.zeros((16,), jnp.float32)

    def zbody(i, _):
        zb[pl.ds(i * 16, 16)] = zero16
        return 0
    lax.fori_loop(0, ROWS_PT // 16, zbody, 0)
    pltpu.sync_copy(zb, acc.at[pl.ds(sid * ROWS_PT, ROWS_PT)])

    def obody(i, _):
        ones[pl.ds(i * 16, 16)] = zero16 + 1.0
        return 0
    lax.fori_loop(0, BATCH // 16, obody, 0)

    pltpu.sync_copy(col_hbm.at[pl.ds(wid * EPB, EPB)], colb)
    plsc.subcore_barrier()

    def body(j, _):
        pltpu.sync_copy(ones, acc.at[colb.at[j]], add=True)
        return 0
    lax.fori_loop(0, EPB, body, 0)

    plsc.subcore_barrier()
    pltpu.sync_copy(acc.at[pl.ds(sid * ROWS_PT, ROWS_PT)],
                    out_hbm.at[cid, pl.ds(sid * ROWS_PT, ROWS_PT)])


@functools.partial(
    pl.kernel,
    out_type=jax.ShapeDtypeStruct((NC, N_ACC, CP), jnp.float32),
    mesh=_MESH,
    scratch_types=[
        pltpu.VMEM((EPB, BATCH), jnp.int32),
        pltpu.VMEM((EPB, BATCH), jnp.int32),
        pltpu.VMEM((BATCH, CP), jnp.float32),
        pltpu.VMEM((BATCH, CP), jnp.float32),
        pltpu.VMEM((ROWS_PT, CP), jnp.float32),
        pltpu.VMEM_SHARED((N_ACC, CP), jnp.float32),
        pltpu.SemaphoreType.DMA,
        pltpu.SemaphoreType.DMA,
    ],
    compiler_params=pltpu.CompilerParams(use_tc_tiling_on_sc=False),
)
def _sc_hop(z_hbm, row_hbm, col_hbm, out_hbm,
            rowb, colb, gba, gbb, zb, acc, sema, semb):
    cid = lax.axis_index("c")
    sid = lax.axis_index("s")
    wid = cid * NS + sid
    zero16 = jnp.zeros((16,), jnp.float32)

    def zbody(i, _):
        zb[i, pl.ds(0, 16)] = zero16
        zb[i, pl.ds(16, 16)] = zero16
        zb[i, pl.ds(32, 16)] = zero16
        return 0
    lax.fori_loop(0, ROWS_PT, zbody, 0)
    pltpu.sync_copy(zb, acc.at[pl.ds(sid * ROWS_PT, ROWS_PT)])

    pltpu.sync_copy(row_hbm.at[pl.ds(wid * EPB, EPB)], rowb)
    pltpu.sync_copy(col_hbm.at[pl.ds(wid * EPB, EPB)], colb)
    plsc.subcore_barrier()

    ga = pltpu.async_copy(z_hbm.at[rowb.at[0]], gba, sema)

    def body(j2, _):
        ja = 2 * j2
        ga = pltpu.make_async_copy(z_hbm.at[rowb.at[ja]], gba, sema)
        ga.wait()

        @pl.when(ja + 1 < EPB)
        def _():
            pltpu.async_copy(z_hbm.at[rowb.at[ja + 1]], gbb, semb)
        pltpu.sync_copy(gba, acc.at[colb.at[ja]], add=True)

        @pl.when(ja + 1 < EPB)
        def _():
            pltpu.make_async_copy(z_hbm.at[rowb.at[ja + 1]], gbb, semb).wait()

            @pl.when(ja + 2 < EPB)
            def _():
                pltpu.async_copy(z_hbm.at[rowb.at[ja + 2]], gba, sema)
            pltpu.sync_copy(gbb, acc.at[colb.at[ja + 1]], add=True)
        return 0
    lax.fori_loop(0, (EPB + 1) // 2, body, 0)

    plsc.subcore_barrier()
    pltpu.sync_copy(acc.at[pl.ds(sid * ROWS_PT, ROWS_PT)],
                    out_hbm.at[cid, pl.ds(sid * ROWS_PT, ROWS_PT)])


_BLK = 512


def _tc_project(xp, wpt, degp):
    def body(x_ref, w_ref, dg_ref, z_ref):
        deg = dg_ref[0, :] + dg_ref[1, :] + 1.0
        dinv = lax.rsqrt(deg)
        y = jnp.dot(x_ref[...], w_ref[...], preferred_element_type=jnp.float32)
        z_ref[...] = y * dinv[:, None]
    return pl.pallas_call(
        body,
        grid=(N_ACC // _BLK,),
        in_specs=[
            pl.BlockSpec((_BLK, D), lambda i: (i, 0)),
            pl.BlockSpec((D, CP), lambda i: (0, 0)),
            pl.BlockSpec((2, _BLK), lambda i: (0, i)),
        ],
        out_specs=pl.BlockSpec((_BLK, CP), lambda i: (i, 0)),
        out_shape=jax.ShapeDtypeStruct((N_ACC, CP), jnp.float32),
    )(xp, wpt, degp)


def _tc_mid(sa, sb, z0, degp):
    def body(sa_ref, sb_ref, z_ref, dg_ref, o_ref):
        deg = dg_ref[0, :] + dg_ref[1, :] + 1.0
        s = sa_ref[...] + sb_ref[...] + z_ref[...]
        o_ref[...] = s * (1.0 / deg)[:, None]
    return pl.pallas_call(
        body,
        grid=(N_ACC // _BLK,),
        in_specs=[
            pl.BlockSpec((_BLK, CP), lambda i: (i, 0)),
            pl.BlockSpec((_BLK, CP), lambda i: (i, 0)),
            pl.BlockSpec((_BLK, CP), lambda i: (i, 0)),
            pl.BlockSpec((2, _BLK), lambda i: (0, i)),
        ],
        out_specs=pl.BlockSpec((_BLK, CP), lambda i: (i, 0)),
        out_shape=jax.ShapeDtypeStruct((N_ACC, CP), jnp.float32),
    )(sa, sb, z0, degp)


_BLKO = 1024


def _tc_final(sa, sb, z1, degp, bp):
    def body(sa_ref, sb_ref, z_ref, dg_ref, b_ref, o_ref):
        deg = dg_ref[0, :] + dg_ref[1, :] + 1.0
        dinv = lax.rsqrt(deg)
        h = (sa_ref[...] + sb_ref[...] + z_ref[...]) * dinv[:, None] + b_ref[...]
        colmask = lax.broadcasted_iota(jnp.int32, (_BLKO, CP), 1) < C
        hm = jnp.where(colmask, h, -1e30)
        m = jnp.max(hm, axis=1, keepdims=True)
        ex = jnp.where(colmask, jnp.exp(hm - m), 0.0)
        lse = jnp.log(jnp.sum(ex, axis=1, keepdims=True))
        o_ref[...] = hm - m - lse
    return pl.pallas_call(
        body,
        grid=(-(-N // _BLKO),),
        in_specs=[
            pl.BlockSpec((_BLKO, CP), lambda i: (i, 0)),
            pl.BlockSpec((_BLKO, CP), lambda i: (i, 0)),
            pl.BlockSpec((_BLKO, CP), lambda i: (i, 0)),
            pl.BlockSpec((2, _BLKO), lambda i: (0, i)),
            pl.BlockSpec((1, CP), lambda i: (0, 0)),
        ],
        out_specs=pl.BlockSpec((_BLKO, CP), lambda i: (i, 0)),
        out_shape=jax.ShapeDtypeStruct((N, CP), jnp.float32),
    )(sa, sb, z1, degp, bp)


def kernel(x, edge_index, W, b):
    row = edge_index[0]
    col = edge_index[1]
    rowp = jnp.concatenate(
        [row, jnp.zeros((E_PAD - E,), row.dtype)]).reshape(E_PAD // BATCH, BATCH)
    colp = jnp.concatenate(
        [col, jnp.full((E_PAD - E,), N, col.dtype)]).reshape(E_PAD // BATCH, BATCH)
    xp = jnp.zeros((N_ACC, D), x.dtype).at[:N].set(x)
    wpt = jnp.zeros((D, CP), W.dtype).at[:, :C].set(W.T)
    bp = jnp.zeros((1, CP), b.dtype).at[0, :C].set(b)

    degp = _sc_deg(colp)
    z0 = _tc_project(xp, wpt, degp)
    s1 = _sc_hop(z0, rowp, colp)
    z1 = _tc_mid(s1[0], s1[1], z0, degp)
    s2 = _sc_hop(z1, rowp, colp)
    outp = _tc_final(s2[0], s2[1], z1, degp, bp)
    return outp[:, :C]

# --- scband reference (transcript-rebuilt; emitter-appended) ---
"""Pipeline reference for scband-net-26302379721162 (READ-ONLY COPY).

The authoritative reference and input builder live on the scoring server;
editing this copy changes nothing except your own understanding.
"""

import jax, jax.numpy as jnp
import numpy as np

N = 10000
E = 320000
D = 128
C = 40
K = 2


def setup_inputs(seed: int = 0) -> dict:
    key = jax.random.key(seed)
    k1, k2, k3, k4 = jax.random.split(key, 4)
    x = jax.random.normal(k1, (N, D), dtype=jnp.float32)
    edge_index = jax.random.randint(k2, (2, E), 0, N, dtype=jnp.int32)
    # SGConv linear layer params: Linear(in_channels=D, out_channels=C)
    limit = 1.0 / np.sqrt(D)
    W = jax.random.uniform(k3, (C, D), dtype=jnp.float32, minval=-limit, maxval=limit)
    b = jax.random.uniform(k4, (C,), dtype=jnp.float32, minval=-limit, maxval=limit)
    return {"x": x, "edge_index": edge_index, "W": W, "b": b}


def reference(x, edge_index, W, b):
    n = x.shape[0]
    # gcn_norm with add_self_loops=True (SGConv default)
    loop = jnp.arange(n, dtype=edge_index.dtype)
    row = jnp.concatenate([edge_index[0], loop])
    col = jnp.concatenate([edge_index[1], loop])
    ones = jnp.ones(row.shape[0], dtype=x.dtype)
    deg = jnp.zeros((n,), dtype=x.dtype).at[col].add(ones)
    deg_inv_sqrt = jnp.where(deg > 0, deg ** -0.5, 0.0)
    norm = deg_inv_sqrt[row] * deg_inv_sqrt[col]
    # K-hop propagation: h <- D^{-1/2} (A + I) D^{-1/2} h, repeated K times
    h = x
    for _ in range(K):
        msg = norm[:, None] * h[row]
        h = jnp.zeros_like(h).at[col].add(msg)
    # linear head then log_softmax (Net.forward)
    out = h @ W.T + b
    return jax.nn.log_softmax(out, axis=1)

if __name__ == "__main__":
    import jax
    _d = setup_inputs()
    print(jax.jit(kernel)(*tuple(_d.values())))

</pallas_src>

<mosaic_0001>
#map = affine_map<(d0, d1) -> (0, 0)>
#map1 = affine_map<(d0, d1) -> (0, 0, 0)>
module attributes {stable_mosaic.version = 14 : i64} {
  func.func @_sc_hop(%arg0: i32, %arg1: i32, %arg2: memref<10240x48xf32, #tpu.memory_space<hbm>>, %arg3: memref<2560x128xi32, #tpu.memory_space<hbm>>, %arg4: memref<2560x128xi32, #tpu.memory_space<hbm>>, %arg5: memref<2x10240x48xf32, #tpu.memory_space<hbm>>, %arg6: memref<80x128xi32, #tpu.memory_space<vmem>>, %arg7: memref<80x128xi32, #tpu.memory_space<vmem>>, %arg8: memref<128x48xf32, #tpu.memory_space<vmem>>, %arg9: memref<128x48xf32, #tpu.memory_space<vmem>>, %arg10: memref<640x48xf32, #tpu.memory_space<vmem>>, %arg11: memref<10240x48xf32, #tpu.memory_space<vmem_shared>>, %arg12: memref<!tpu.dma_semaphore, #tpu.memory_space<semaphore_mem>>, %arg13: memref<!tpu.dma_semaphore, #tpu.memory_space<semaphore_mem>>) attributes {dimension_semantics = [#tpu.dimension_semantics<core_parallel>, #tpu.dimension_semantics<subcore_parallel>], iteration_bounds = array<i64: 2, 16>, scalar_prefetch = 0 : i64, scratch_operands = 8 : i64, tpu.core_type = #tpu.core_type<sc_vector_subcore>, window_params = [{transform_indices = #map}, {transform_indices = #map}, {transform_indices = #map}, {transform_indices = #map1}]} {
    %mul3A = arith.constant 16 : i32
    %mul3A_0 = arith.muli %arg0, %mul3A : i32
    %add3A = arith.addi %mul3A_0, %arg1 : i32
    %broadcast_in_dim3A = arith.constant 0.000000e+00 : f32
    %broadcast_in_dim3A_1 = vector.broadcast %broadcast_in_dim3A : f32 to vector<16xf32>
    %scan3A = arith.constant 0 : i32
    %scan3A_2 = arith.constant 0 : i32
    %scan3A_3 = arith.constant 640 : i32
    %scan3A_4 = arith.addi %scan3A_2, %scan3A_3 : i32
    %scan3A_5 = arith.constant 1 : i32
    %scan3A_6 = scf.for %scan3A_32 = %scan3A_2 to %scan3A_4 step %scan3A_5 iter_args(%scan3A_33 = %scan3A) -> (i32)  : i32 {
      %swap3A = arith.index_cast %scan3A_32 : i32 to index
      %swap3A_34 = arith.constant 0 : index
      %swap3A_35 = tpu.vector_load %arg10[%swap3A, %swap3A_34] {strides = array<i32>} : memref<640x48xf32, #tpu.memory_space<vmem>>, vector<1x16xf32>,
      %swap3A_36 = vector.shape_cast %swap3A_35 : vector<1x16xf32> to vector<16xf32>
      %swap3A_37 = vector.shape_cast %broadcast_in_dim3A_1 : vector<16xf32> to vector<1x16xf32>
      tpu.vector_store %arg10[%swap3A, %swap3A_34], %swap3A_37 {strides = array<i32>} : memref<640x48xf32, #tpu.memory_space<vmem>>, vector<1x16xf32>,
      %swap3A_38 = arith.index_cast %scan3A_32 : i32 to index
      %swap3A_39 = arith.constant 16 : index
      %swap3A_40 = tpu.vector_load %arg10[%swap3A_38, %swap3A_39] {strides = array<i32>} : memref<640x48xf32, #tpu.memory_space<vmem>>, vector<1x16xf32>,
      %swap3A_41 = vector.shape_cast %swap3A_40 : vector<1x16xf32> to vector<16xf32>
      %swap3A_42 = vector.shape_cast %broadcast_in_dim3A_1 : vector<16xf32> to vector<1x16xf32>
      tpu.vector_store %arg10[%swap3A_38, %swap3A_39], %swap3A_42 {strides = array<i32>} : memref<640x48xf32, #tpu.memory_space<vmem>>, vector<1x16xf32>,
      %swap3A_43 = arith.index_cast %scan3A_32 : i32 to index
      %swap3A_44 = arith.constant 32 : index
      %swap3A_45 = tpu.vector_load %arg10[%swap3A_43, %swap3A_44] {strides = array<i32>} : memref<640x48xf32, #tpu.memory_space<vmem>>, vector<1x16xf32>,
      %swap3A_46 = vector.shape_cast %swap3A_45 : vector<1x16xf32> to vector<16xf32>
      %swap3A_47 = vector.shape_cast %broadcast_in_dim3A_1 : vector<16xf32> to vector<1x16xf32>
      tpu.vector_store %arg10[%swap3A_43, %swap3A_44], %swap3A_47 {strides = array<i32>} : memref<640x48xf32, #tpu.memory_space<vmem>>, vector<1x16xf32>,
      %scan3A_48 = arith.constant 0 : i32
      scf.yield %scan3A_48 : i32
    }
    %scan3A_7 = arith.constant 640 : i32
    %mul3A_8 = arith.constant 640 : i32
    %mul3A_9 = arith.muli %arg1, %mul3A_8 : i32
    "tpu.region"() ({
      %run_scoped3A = tpu.sem_alloc : memref<!tpu.dma_semaphore, #tpu.memory_space<semaphore_mem>>
      %dma_start3A_32 = arith.constant 0 : i32
      %dma_start3A_33 = tpu.memref_slice %arg11[%mul3A_9, %dma_start3A_32] : memref<10240x48xf32, #tpu.memory_space<vmem_shared>> -> memref<640x48xf32, #tpu.memory_space<vmem_shared>>
      %dma_start3A_34 = arith.constant 0 : i32
      %dma_start3A_35 = tpu.memref_slice %arg11[%mul3A_9, %dma_start3A_34] : memref<10240x48xf32, #tpu.memory_space<vmem_shared>> -> memref<640x48xf32, #tpu.memory_space<vmem_shared>>
      tpu.enqueue_dma source(%arg10 : memref<640x48xf32, #tpu.memory_space<vmem>>) target(%dma_start3A_35 : memref<640x48xf32, #tpu.memory_space<vmem_shared>>) target_semaphore(%run_scoped3A : memref<!tpu.dma_semaphore, #tpu.memory_space<semaphore_mem>>)
      %dma_wait3A = arith.constant 0 : i32
      %dma_wait3A_36 = tpu.memref_slice %arg11[%mul3A_9, %dma_wait3A] : memref<10240x48xf32, #tpu.memory_space<vmem_shared>> -> memref<640x48xf32, #tpu.memory_space<vmem_shared>>
      %dma_wait3A_37 = arith.constant 0 : i32
      %dma_wait3A_38 = tpu.memref_slice %arg11[%mul3A_9, %dma_wait3A_37] : memref<10240x48xf32, #tpu.memory_space<vmem_shared>> -> memref<640x48xf32, #tpu.memory_space<vmem_shared>>
      tpu.wait_dma2 semaphore(%run_scoped3A : memref<!tpu.dma_semaphore, #tpu.memory_space<semaphore_mem>>) src(%arg10 : memref<640x48xf32, #tpu.memory_space<vmem>>) dst(%dma_wait3A_38 : memref<640x48xf32, #tpu.memory_space<vmem_shared>>)
      tpu.yield
    }) : () -> ()
    %mul3A_10 = arith.constant 80 : i32
    %mul3A_11 = arith.muli %add3A, %mul3A_10 : i32
    "tpu.region"() ({
      %run_scoped3A = tpu.sem_alloc : memref<!tpu.dma_semaphore, #tpu.memory_space<semaphore_mem>>
      %dma_start3A_32 = arith.constant 0 : i32
      %dma_start3A_33 = tpu.memref_slice %arg3[%mul3A_11, %dma_start3A_32] : memref<2560x128xi32, #tpu.memory_space<hbm>> -> memref<80x128xi32, #tpu.memory_space<hbm>>
      %dma_start3A_34 = arith.constant 0 : i32
      %dma_start3A_35 = tpu.memref_slice %arg3[%mul3A_11, %dma_start3A_34] : memref<2560x128xi32, #tpu.memory_space<hbm>> -> memref<80x128xi32, #tpu.memory_space<hbm>>
      tpu.enqueue_dma source(%dma_start3A_35 : memref<80x128xi32, #tpu.memory_space<hbm>>) target(%arg6 : memref<80x128xi32, #tpu.memory_space<vmem>>) target_semaphore(%run_scoped3A : memref<!tpu.dma_semaphore, #tpu.memory_space<semaphore_mem>>)
      %dma_wait3A = arith.constant 0 : i32
      %dma_wait3A_36 = tpu.memref_slice %arg3[%mul3A_11, %dma_wait3A] : memref<2560x128xi32, #tpu.memory_space<hbm>> -> memref<80x128xi32, #tpu.memory_space<hbm>>
      %dma_wait3A_37 = arith.constant 0 : i32
      %dma_wait3A_38 = tpu.memref_slice %arg3[%mul3A_11, %dma_wait3A_37] : memref<2560x128xi32, #tpu.memory_space<hbm>> -> memref<80x128xi32, #tpu.memory_space<hbm>>
      tpu.wait_dma2 semaphore(%run_scoped3A : memref<!tpu.dma_semaphore, #tpu.memory_space<semaphore_mem>>) src(%dma_wait3A_38 : memref<80x128xi32, #tpu.memory_space<hbm>>) dst(%arg6 : memref<80x128xi32, #tpu.memory_space<vmem>>)
      tpu.yield
    }) : () -> ()
    %mul3A_12 = arith.constant 80 : i32
    %mul3A_13 = arith.muli %add3A, %mul3A_12 : i32
    "tpu.region"() ({
      %run_scoped3A = tpu.sem_alloc : memref<!tpu.dma_semaphore, #tpu.memory_space<semaphore_mem>>
      %dma_start3A_32 = arith.constant 0 : i32
      %dma_start3A_33 = tpu.memref_slice %arg4[%mul3A_13, %dma_start3A_32] : memref<2560x128xi32, #tpu.memory_space<hbm>> -> memref<80x128xi32, #tpu.memory_space<hbm>>
      %dma_start3A_34 = arith.constant 0 : i32
      %dma_start3A_35 = tpu.memref_slice %arg4[%mul3A_13, %dma_start3A_34] : memref<2560x128xi32, #tpu.memory_space<hbm>> -> memref<80x128xi32, #tpu.memory_space<hbm>>
      tpu.enqueue_dma source(%dma_start3A_35 : memref<80x128xi32, #tpu.memory_space<hbm>>) target(%arg7 : memref<80x128xi32, #tpu.memory_space<vmem>>) target_semaphore(%run_scoped3A : memref<!tpu.dma_semaphore, #tpu.memory_space<semaphore_mem>>)
      %dma_wait3A = arith.constant 0 : i32
      %dma_wait3A_36 = tpu.memref_slice %arg4[%mul3A_13, %dma_wait3A] : memref<2560x128xi32, #tpu.memory_space<hbm>> -> memref<80x128xi32, #tpu.memory_space<hbm>>
      %dma_wait3A_37 = arith.constant 0 : i32
      %dma_wait3A_38 = tpu.memref_slice %arg4[%mul3A_13, %dma_wait3A_37] : memref<2560x128xi32, #tpu.memory_space<hbm>> -> memref<80x128xi32, #tpu.memory_space<hbm>>
      tpu.wait_dma2 semaphore(%run_scoped3A : memref<!tpu.dma_semaphore, #tpu.memory_space<semaphore_mem>>) src(%dma_wait3A_38 : memref<80x128xi32, #tpu.memory_space<hbm>>) dst(%arg7 : memref<80x128xi32, #tpu.memory_space<vmem>>)
      tpu.yield
    }) : () -> ()
    %barrier3A = arith.constant 0 : index
    tpu.barrier barrier_id(%barrier3A)
    %dma_start3A = arith.constant 0 : i32
    %dma_start3A_14 = arith.constant 0 : i32
    %dma_start3A_15 = tpu.memref_slice %arg6[%dma_start3A, %dma_start3A_14] : memref<80x128xi32, #tpu.memory_space<vmem>> -> memref<1x128xi32, #tpu.memory_space<vmem>>
    %dma_start3A_16 = tpu.memref_squeeze %dma_start3A_15 : memref<1x128xi32, #tpu.memory_space<vmem>> -> memref<128xi32, #tpu.memory_space<vmem>>
    %dma_start3A_17 = arith.constant 0 : i32
    %dma_start3A_18 = arith.constant 0 : i32
    %dma_start3A_19 = tpu.memref_slice %arg2[%dma_start3A_17, %dma_start3A_18] : memref<10240x48xf32, #tpu.memory_space<hbm>> -> memref<10240x48xf32, #tpu.memory_space<hbm>>
    tpu.enqueue_indirect_dma source(%dma_start3A_19 : memref<10240x48xf32, #tpu.memory_space<hbm>>) target(%arg8 : memref<128x48xf32, #tpu.memory_space<vmem>>) offsets(%dma_start3A_16 : memref<128xi32, #tpu.memory_space<vmem>>) semaphore(%arg12 : memref<!tpu.dma_semaphore, #tpu.memory_space<semaphore_mem>>)
    %scan3A_20 = arith.constant 0 : i32
    %scan3A_21 = arith.constant 0 : i32
    %scan3A_22 = arith.constant 40 : i32
    %scan3A_23 = arith.addi %scan3A_21, %scan3A_22 : i32
    %scan3A_24 = arith.constant 1 : i32
    %scan3A_25 = scf.for %scan3A_32 = %scan3A_21 to %scan3A_23 step %scan3A_24 iter_args(%scan3A_33 = %scan3A_20) -> (i32)  : i32 {
      %mul3A_34 = arith.constant 2 : i32
      %mul3A_35 = arith.muli %mul3A_34, %scan3A_32 : i32
      %dma_wait3A = arith.constant 0 : i32
      %dma_wait3A_36 = tpu.memref_slice %arg6[%mul3A_35, %dma_wait3A] : memref<80x128xi32, #tpu.memory_space<vmem>> -> memref<1x128xi32, #tpu.memory_space<vmem>>
      %dma_wait3A_37 = tpu.memref_squeeze %dma_wait3A_36 : memref<1x128xi32, #tpu.memory_space<vmem>> -> memref<128xi32, #tpu.memory_space<vmem>>
      %dma_wait3A_38 = arith.constant 0 : i32
      %dma_wait3A_39 = arith.constant 0 : i32
      %dma_wait3A_40 = tpu.memref_slice %arg2[%dma_wait3A_38, %dma_wait3A_39] : memref<10240x48xf32, #tpu.memory_space<hbm>> -> memref<10240x48xf32, #tpu.memory_space<hbm>>
      tpu.wait_indirect_dma semaphore(%arg12 : memref<!tpu.dma_semaphore, #tpu.memory_space<semaphore_mem>>) src(%dma_wait3A_40 : memref<10240x48xf32, #tpu.memory_space<hbm>>) dst(%arg8 : memref<128x48xf32, #tpu.memory_space<vmem>>)
      %add3A_41 = arith.constant 1 : i32
      %add3A_42 = arith.addi %mul3A_35, %add3A_41 : i32
      %lt3A = arith.constant 80 : i32
      %lt3A_43 = arith.cmpi slt, %add3A_42, %lt3A : i32
      %convert_element_type3A = arith.extui %lt3A_43 : i1 to i32
      %cond3A = arith.constant 0 : i32
      %cond3A_44 = arith.cmpi ne, %convert_element_type3A, %cond3A : i32
      scf.if %cond3A_44 {
        %add3A_53 = arith.constant 1 : i32
        %add3A_54 = arith.addi %mul3A_35, %add3A_53 : i32
        %dma_start3A_55 = arith.constant 0 : i32
        %dma_start3A_56 = tpu.memref_slice %arg6[%add3A_54, %dma_start3A_55] : memref<80x128xi32, #tpu.memory_space<vmem>> -> memref<1x128xi32, #tpu.memory_space<vmem>>
        %dma_start3A_57 = tpu.memref_squeeze %dma_start3A_56 : memref<1x128xi32, #tpu.memory_space<vmem>> -> memref<128xi32, #tpu.memory_space<vmem>>
        %dma_start3A_58 = arith.constant 0 : i32
        %dma_start3A_59 = arith.constant 0 : i32
        %dma_start3A_60 = tpu.memref_slice %arg2[%dma_start3A_58, %dma_start3A_59] : memref<10240x48xf32, #tpu.memory_space<hbm>> -> memref<10240x48xf32, #tpu.memory_space<hbm>>
        tpu.enqueue_indirect_dma source(%dma_start3A_60 : memref<10240x48xf32, #tpu.memory_space<hbm>>) target(%arg9 : memref<128x48xf32, #tpu.memory_space<vmem>>) offsets(%dma_start3A_57 : memref<128xi32, #tpu.memory_space<vmem>>) semaphore(%arg13 : memref<!tpu.dma_semaphore, #tpu.memory_space<semaphore_mem>>)
      } else {
      }
      "tpu.region"() ({
        %run_scoped3A = tpu.sem_alloc : memref<!tpu.dma_semaphore, #tpu.memory_space<semaphore_mem>>
        %dma_start3A_53 = arith.constant 0 : i32
        %dma_start3A_54 = tpu.memref_slice %arg7[%mul3A_35, %dma_start3A_53] : memref<80x128xi32, #tpu.memory_space<vmem>> -> memref<1x128xi32, #tpu.memory_space<vmem>>
        %dma_start3A_55 = tpu.memref_squeeze %dma_start3A_54 : memref<1x128xi32, #tpu.memory_space<vmem>> -> memref<128xi32, #tpu.memory_space<vmem>>
        %dma_start3A_56 = arith.constant 0 : i32
        %dma_start3A_57 = arith.constant 0 : i32
        %dma_start3A_58 = tpu.memref_slice %arg11[%dma_start3A_56, %dma_start3A_57] : memref<10240x48xf32, #tpu.memory_space<vmem_shared>> -> memref<10240x48xf32, #tpu.memory_space<vmem_shared>>
        tpu.enqueue_indirect_dma source(%arg8 : memref<128x48xf32, #tpu.memory_space<vmem>>) target(%dma_start3A_58 : memref<10240x48xf32, #tpu.memory_space<vmem_shared>>) offsets(%dma_start3A_55 : memref<128xi32, #tpu.memory_space<vmem>>) semaphore(%run_scoped3A : memref<!tpu.dma_semaphore, #tpu.memory_space<semaphore_mem>>) {add = true}
        %dma_wait3A_59 = arith.constant 0 : i32
        %dma_wait3A_60 = tpu.memref_slice %arg7[%mul3A_35, %dma_wait3A_59] : memref<80x128xi32, #tpu.memory_space<vmem>> -> memref<1x128xi32, #tpu.memory_space<vmem>>
        %dma_wait3A_61 = tpu.memref_squeeze %dma_wait3A_60 : memref<1x128xi32, #tpu.memory_space<vmem>> -> memref<128xi32, #tpu.memory_space<vmem>>
        %dma_wait3A_62 = arith.constant 0 : i32
        %dma_wait3A_63 = arith.constant 0 : i32
        %dma_wait3A_64 = tpu.memref_slice %arg11[%dma_wait3A_62, %dma_wait3A_63] : memref<10240x48xf32, #tpu.memory_space<vmem_shared>> -> memref<10240x48xf32, #tpu.memory_space<vmem_shared>>
        tpu.wait_indirect_dma semaphore(%run_scoped3A : memref<!tpu.dma_semaphore, #tpu.memory_space<semaphore_mem>>) src(%arg8 : memref<128x48xf32, #tpu.memory_space<vmem>>) dst(%dma_wait3A_64 : memref<10240x48xf32, #tpu.memory_space<vmem_shared>>)
        tpu.yield
      }) : () -> ()
      %add3A_45 = arith.constant 1 : i32
      %add3A_46 = arith.addi %mul3A_35, %add3A_45 : i32
      %lt3A_47 = arith.constant 80 : i32
      %lt3A_48 = arith.cmpi slt, %add3A_46, %lt3A_47 : i32
      %convert_element_type3A_49 = arith.extui %lt3A_48 : i1 to i32
      %cond3A_50 = arith.constant 0 : i32
      %cond3A_51 = arith.cmpi ne, %convert_element_type3A_49, %cond3A_50 : i32
      scf.if %cond3A_51 {
        %add3A_53 = arith.constant 1 : i32
        %add3A_54 = arith.addi %mul3A_35, %add3A_53 : i32
        %dma_wait3A_55 = arith.constant 0 : i32
        %dma_wait3A_56 = tpu.memref_slice %arg6[%add3A_54, %dma_wait3A_55] : memref<80x128xi32, #tpu.memory_space<vmem>> -> memref<1x128xi32, #tpu.memory_space<vmem>>
        %dma_wait3A_57 = tpu.memref_squeeze %dma_wait3A_56 : memref<1x128xi32, #tpu.memory_space<vmem>> -> memref<128xi32, #tpu.memory_space<vmem>>
        %dma_wait3A_58 = arith.constant 0 : i32
        %dma_wait3A_59 = arith.constant 0 : i32
        %dma_wait3A_60 = tpu.memref_slice %arg2[%dma_wait3A_58, %dma_wait3A_59] : memref<10240x48xf32, #tpu.memory_space<hbm>> -> memref<10240x48xf32, #tpu.memory_space<hbm>>
        tpu.wait_indirect_dma semaphore(%arg13 : memref<!tpu.dma_semaphore, #tpu.memory_space<semaphore_mem>>) src(%dma_wait3A_60 : memref<10240x48xf32, #tpu.memory_space<hbm>>) dst(%arg9 : memref<128x48xf32, #tpu.memory_space<vmem>>)
        %add3A_61 = arith.constant 2 : i32
        %add3A_62 = arith.addi %mul3A_35, %add3A_61 : i32
        %lt3A_63 = arith.constant 80 : i32
        %lt3A_64 = arith.cmpi slt, %add3A_62, %lt3A_63 : i32
        %convert_element_type3A_65 = arith.extui %lt3A_64 : i1 to i32
        %cond3A_66 = arith.constant 0 : i32
        %cond3A_67 = arith.cmpi ne, %convert_element_type3A_65, %cond3A_66 : i32
        scf.if %cond3A_67 {
          %add3A_70 = arith.constant 2 : i32
          %add3A_71 = arith.addi %mul3A_35, %add3A_70 : i32
          %dma_start3A_72 = arith.constant 0 : i32
          %dma_start3A_73 = tpu.memref_slice %arg6[%add3A_71, %dma_start3A_72] : memref<80x128xi32, #tpu.memory_space<vmem>> -> memref<1x128xi32, #tpu.memory_space<vmem>>
          %dma_start3A_74 = tpu.memref_squeeze %dma_start3A_73 : memref<1x128xi32, #tpu.memory_space<vmem>> -> memref<128xi32, #tpu.memory_space<vmem>>
          %dma_start3A_75 = arith.constant 0 : i32
          %dma_start3A_76 = arith.constant 0 : i32
          %dma_start3A_77 = tpu.memref_slice %arg2[%dma_start3A_75, %dma_start3A_76] : memref<10240x48xf32, #tpu.memory_space<hbm>> -> memref<10240x48xf32, #tpu.memory_space<hbm>>
          tpu.enqueue_indirect_dma source(%dma_start3A_77 : memref<10240x48xf32, #tpu.memory_space<hbm>>) target(%arg8 : memref<128x48xf32, #tpu.memory_space<vmem>>) offsets(%dma_start3A_74 : memref<128xi32, #tpu.memory_space<vmem>>) semaphore(%arg12 : memref<!tpu.dma_semaphore, #tpu.memory_space<semaphore_mem>>)
        } else {
        }
        %add3A_68 = arith.constant 1 : i32
        %add3A_69 = arith.addi %mul3A_35, %add3A_68 : i32
        "tpu.region"() ({
          %run_scoped3A = tpu.sem_alloc : memref<!tpu.dma_semaphore, #tpu.memory_space<semaphore_mem>>
          %dma_start3A_70 = arith.constant 0 : i32
          %dma_start3A_71 = tpu.memref_slice %arg7[%add3A_69, %dma_start3A_70] : memref<80x128xi32, #tpu.memory_space<vmem>> -> memref<1x128xi32, #tpu.memory_space<vmem>>
          %dma_start3A_72 = tpu.memref_squeeze %dma_start3A_71 : memref<1x128xi32, #tpu.memory_space<vmem>> -> memref<128xi32, #tpu.memory_space<vmem>>
          %dma_start3A_73 = arith.constant 0 : i32
          %dma_start3A_74 = arith.constant 0 : i32
          %dma_start3A_75 = tpu.memref_slice %arg11[%dma_start3A_73, %dma_start3A_74] : memref<10240x48xf32, #tpu.memory_space<vmem_shared>> -> memref<10240x48xf32, #tpu.memory_space<vmem_shared>>
          tpu.enqueue_indirect_dma source(%arg9 : memref<128x48xf32, #tpu.memory_space<vmem>>) target(%dma_start3A_75 : memref<10240x48xf32, #tpu.memory_space<vmem_shared>>) offsets(%dma_start3A_72 : memref<128xi32, #tpu.memory_space<vmem>>) semaphore(%run_scoped3A : memref<!tpu.dma_semaphore, #tpu.memory_space<semaphore_mem>>) {add = true}
          %dma_wait3A_76 = arith.constant 0 : i32
          %dma_wait3A_77 = tpu.memref_slice %arg7[%add3A_69, %dma_wait3A_76] : memref<80x128xi32, #tpu.memory_space<vmem>> -> memref<1x128xi32, #tpu.memory_space<vmem>>
          %dma_wait3A_78 = tpu.memref_squeeze %dma_wait3A_77 : memref<1x128xi32, #tpu.memory_space<vmem>> -> memref<128xi32, #tpu.memory_space<vmem>>
          %dma_wait3A_79 = arith.constant 0 : i32
          %dma_wait3A_80 = arith.constant 0 : i32
          %dma_wait3A_81 = tpu.memref_slice %arg11[%dma_wait3A_79, %dma_wait3A_80] : memref<10240x48xf32, #tpu.memory_space<vmem_shared>> -> memref<10240x48xf32, #tpu.memory_space<vmem_shared>>
          tpu.wait_indirect_dma semaphore(%run_scoped3A : memref<!tpu.dma_semaphore, #tpu.memory_space<semaphore_mem>>) src(%arg9 : memref<128x48xf32, #tpu.memory_space<vmem>>) dst(%dma_wait3A_81 : memref<10240x48xf32, #tpu.memory_space<vmem_shared>>)
          tpu.yield
        }) : () -> ()
      } else {
      }
      %scan3A_52 = arith.constant 0 : i32
      scf.yield %scan3A_52 : i32
    }
    %scan3A_26 = arith.constant 40 : i32
    %barrier3A_27 = arith.constant 0 : index
    tpu.barrier barrier_id(%barrier3A_27)
    %mul3A_28 = arith.constant 640 : i32
    %mul3A_29 = arith.muli %arg1, %mul3A_28 : i32
    %mul3A_30 = arith.constant 640 : i32
    %mul3A_31 = arith.muli %arg1, %mul3A_30 : i32
    "tpu.region"() ({
      %run_scoped3A = tpu.sem_alloc : memref<!tpu.dma_semaphore, #tpu.memory_space<semaphore_mem>>
      %dma_start3A_32 = arith.constant 0 : i32
      %dma_start3A_33 = tpu.memref_slice %arg5[%arg0, %mul3A_31, %dma_start3A_32] : memref<2x10240x48xf32, #tpu.memory_space<hbm>> -> memref<1x640x48xf32, #tpu.memory_space<hbm>>
      %dma_start3A_34 = tpu.memref_squeeze %dma_start3A_33 : memref<1x640x48xf32, #tpu.memory_space<hbm>> -> memref<640x48xf32, #tpu.memory_space<hbm>>
      %dma_start3A_35 = arith.constant 0 : i32
      %dma_start3A_36 = tpu.memref_slice %arg11[%mul3A_29, %dma_start3A_35] : memref<10240x48xf32, #tpu.memory_space<vmem_shared>> -> memref<640x48xf32, #tpu.memory_space<vmem_shared>>
      tpu.enqueue_dma source(%dma_start3A_36 : memref<640x48xf32, #tpu.memory_space<vmem_shared>>) target(%dma_start3A_34 : memref<640x48xf32, #tpu.memory_space<hbm>>) target_semaphore(%run_scoped3A : memref<!tpu.dma_semaphore, #tpu.memory_space<semaphore_mem>>)
      %dma_wait3A = arith.constant 0 : i32
      %dma_wait3A_37 = tpu.memref_slice %arg5[%arg0, %mul3A_31, %dma_wait3A] : memref<2x10240x48xf32, #tpu.memory_space<hbm>> -> memref<1x640x48xf32, #tpu.memory_space<hbm>>
      %dma_wait3A_38 = tpu.memref_squeeze %dma_wait3A_37 : memref<1x640x48xf32, #tpu.memory_space<hbm>> -> memref<640x48xf32, #tpu.memory_space<hbm>>
      %dma_wait3A_39 = arith.constant 0 : i32
      %dma_wait3A_40 = tpu.memref_slice %arg11[%mul3A_29, %dma_wait3A_39] : memref<10240x48xf32, #tpu.memory_space<vmem_shared>> -> memref<640x48xf32, #tpu.memory_space<vmem_shared>>
      tpu.wait_dma2 semaphore(%run_scoped3A : memref<!tpu.dma_semaphore, #tpu.memory_space<semaphore_mem>>) src(%dma_wait3A_40 : memref<640x48xf32, #tpu.memory_space<vmem_shared>>) dst(%dma_wait3A_38 : memref<640x48xf32, #tpu.memory_space<hbm>>)
      tpu.yield
    }) : () -> ()
    return
  }
}

#map = affine_map<(d0, d1) -> (0, 0)>
module attributes {stable_mosaic.version = 14 : i64} {
  func.func @_sc_deg(%arg0: i32, %arg1: i32, %arg2: memref<2560x128xi32, #tpu.memory_space<hbm>>, %arg3: memref<2x10240xf32, #tpu.memory_space<hbm>>, %arg4: memref<80x128xi32, #tpu.memory_space<vmem>>, %arg5: memref<128xf32, #tpu.memory_space<vmem>>, %arg6: memref<640xf32, #tpu.memory_space<vmem>>, %arg7: memref<10240xf32, #tpu.memory_space<vmem_shared>>) attributes {dimension_semantics = [#tpu.dimension_semantics<core_parallel>, #tpu.dimension_semantics<subcore_parallel>], iteration_bounds = array<i64: 2, 16>, scalar_prefetch = 0 : i64, scratch_operands = 4 : i64, tpu.core_type = #tpu.core_type<sc_vector_subcore>, window_params = [{transform_indices = #map}, {transform_indices = #map}]} {
    %mul3A = arith.constant 16 : i32
    %mul3A_0 = arith.muli %arg0, %mul3A : i32
    %add3A = arith.addi %mul3A_0, %arg1 : i32
    %broadcast_in_dim3A = arith.constant 0.000000e+00 : f32
    %broadcast_in_dim3A_1 = vector.broadcast %broadcast_in_dim3A : f32 to vector<16xf32>
    %scan3A = arith.constant 0 : i32
    %scan3A_2 = arith.constant 0 : i32
    %scan3A_3 = arith.constant 40 : i32
    %scan3A_4 = arith.addi %scan3A_2, %scan3A_3 : i32
    %scan3A_5 = arith.constant 1 : i32
    %scan3A_6 = scf.for %scan3A_31 = %scan3A_2 to %scan3A_4 step %scan3A_5 iter_args(%scan3A_32 = %scan3A) -> (i32)  : i32 {
      %mul3A_33 = arith.constant 16 : i32
      %mul3A_34 = arith.muli %scan3A_31, %mul3A_33 : i32
      %swap3A = arith.index_cast %mul3A_34 : i32 to index
      %swap3A_35 = tpu.vector_load %arg6[%swap3A] {strides = array<i32>} : memref<640xf32, #tpu.memory_space<vmem>>, vector<16xf32>,
      %swap3A_36 = vector.shape_cast %swap3A_35 : vector<16xf32> to vector<16xf32>
      %swap3A_37 = vector.shape_cast %broadcast_in_dim3A_1 : vector<16xf32> to vector<16xf32>
      tpu.vector_store %arg6[%swap3A], %swap3A_37 {strides = array<i32>} : memref<640xf32, #tpu.memory_space<vmem>>, vector<16xf32>,
      %scan3A_38 = arith.constant 0 : i32
      scf.yield %scan3A_38 : i32
    }
    %scan3A_7 = arith.constant 40 : i32
    %mul3A_8 = arith.constant 640 : i32
    %mul3A_9 = arith.muli %arg1, %mul3A_8 : i32
    "tpu.region"() ({
      %run_scoped3A = tpu.sem_alloc : memref<!tpu.dma_semaphore, #tpu.memory_space<semaphore_mem>>
      %dma_start3A = tpu.memref_slice %arg7[%mul3A_9] : memref<10240xf32, #tpu.memory_space<vmem_shared>> -> memref<640xf32, #tpu.memory_space<vmem_shared>>
      %dma_start3A_31 = tpu.memref_slice %arg7[%mul3A_9] : memref<10240xf32, #tpu.memory_space<vmem_shared>> -> memref<640xf32, #tpu.memory_space<vmem_shared>>
      tpu.enqueue_dma source(%arg6 : memref<640xf32, #tpu.memory_space<vmem>>) target(%dma_start3A_31 : memref<640xf32, #tpu.memory_space<vmem_shared>>) target_semaphore(%run_scoped3A : memref<!tpu.dma_semaphore, #tpu.memory_space<semaphore_mem>>)
      %dma_wait3A = tpu.memref_slice %arg7[%mul3A_9] : memref<10240xf32, #tpu.memory_space<vmem_shared>> -> memref<640xf32, #tpu.memory_space<vmem_shared>>
      %dma_wait3A_32 = tpu.memref_slice %arg7[%mul3A_9] : memref<10240xf32, #tpu.memory_space<vmem_shared>> -> memref<640xf32, #tpu.memory_space<vmem_shared>>
      tpu.wait_dma2 semaphore(%run_scoped3A : memref<!tpu.dma_semaphore, #tpu.memory_space<semaphore_mem>>) src(%arg6 : memref<640xf32, #tpu.memory_space<vmem>>) dst(%dma_wait3A_32 : memref<640xf32, #tpu.memory_space<vmem_shared>>)
      tpu.yield
    }) : () -> ()
    %scan3A_10 = arith.constant 0 : i32
    %scan3A_11 = arith.constant 0 : i32
    %scan3A_12 = arith.constant 8 : i32
    %scan3A_13 = arith.addi %scan3A_11, %scan3A_12 : i32
    %scan3A_14 = arith.constant 1 : i32
    %scan3A_15 = scf.for %scan3A_31 = %scan3A_11 to %scan3A_13 step %scan3A_14 iter_args(%scan3A_32 = %scan3A_10) -> (i32)  : i32 {
      %add3A_33 = arith.constant 1.000000e+00 : f32
      %add3A_34 = vector.broadcast %add3A_33 : f32 to vector<16xf32>
      %add3A_35 = arith.addf %broadcast_in_dim3A_1, %add3A_34 : vector<16xf32>
      %mul3A_36 = arith.constant 16 : i32
      %mul3A_37 = arith.muli %scan3A_31, %mul3A_36 : i32
      %swap3A = arith.index_cast %mul3A_37 : i32 to index
      %swap3A_38 = tpu.vector_load %arg5[%swap3A] {strides = array<i32>} : memref<128xf32, #tpu.memory_space<vmem>>, vector<16xf32>,
      %swap3A_39 = vector.shape_cast %swap3A_38 : vector<16xf32> to vector<16xf32>
      %swap3A_40 = vector.shape_cast %add3A_35 : vector<16xf32> to vector<16xf32>
      tpu.vector_store %arg5[%swap3A], %swap3A_40 {strides = array<i32>} : memref<128xf32, #tpu.memory_space<vmem>>, vector<16xf32>,
      %scan3A_41 = arith.constant 0 : i32
      scf.yield %scan3A_41 : i32
    }
    %scan3A_16 = arith.constant 8 : i32
    %mul3A_17 = arith.constant 80 : i32
    %mul3A_18 = arith.muli %add3A, %mul3A_17 : i32
    "tpu.region"() ({
      %run_scoped3A = tpu.sem_alloc : memref<!tpu.dma_semaphore, #tpu.memory_space<semaphore_mem>>
      %dma_start3A = arith.constant 0 : i32
      %dma_start3A_31 = tpu.memref_slice %arg2[%mul3A_18, %dma_start3A] : memref<2560x128xi32, #tpu.memory_space<hbm>> -> memref<80x128xi32, #tpu.memory_space<hbm>>
      %dma_start3A_32 = arith.constant 0 : i32
      %dma_start3A_33 = tpu.memref_slice %arg2[%mul3A_18, %dma_start3A_32] : memref<2560x128xi32, #tpu.memory_space<hbm>> -> memref<80x128xi32, #tpu.memory_space<hbm>>
      tpu.enqueue_dma source(%dma_start3A_33 : memref<80x128xi32, #tpu.memory_space<hbm>>) target(%arg4 : memref<80x128xi32, #tpu.memory_space<vmem>>) target_semaphore(%run_scoped3A : memref<!tpu.dma_semaphore, #tpu.memory_space<semaphore_mem>>)
      %dma_wait3A = arith.constant 0 : i32
      %dma_wait3A_34 = tpu.memref_slice %arg2[%mul3A_18, %dma_wait3A] : memref<2560x128xi32, #tpu.memory_space<hbm>> -> memref<80x128xi32, #tpu.memory_space<hbm>>
      %dma_wait3A_35 = arith.constant 0 : i32
      %dma_wait3A_36 = tpu.memref_slice %arg2[%mul3A_18, %dma_wait3A_35] : memref<2560x128xi32, #tpu.memory_space<hbm>> -> memref<80x128xi32, #tpu.memory_space<hbm>>
      tpu.wait_dma2 semaphore(%run_scoped3A : memref<!tpu.dma_semaphore, #tpu.memory_space<semaphore_mem>>) src(%dma_wait3A_36 : memref<80x128xi32, #tpu.memory_space<hbm>>) dst(%arg4 : memref<80x128xi32, #tpu.memory_space<vmem>>)
      tpu.yield
    }) : () -> ()
    %barrier3A = arith.constant 0 : index
    tpu.barrier barrier_id(%barrier3A)
    %scan3A_19 = arith.constant 0 : i32
    %scan3A_20 = arith.constant 0 : i32
    %scan3A_21 = arith.constant 80 : i32
    %scan3A_22 = arith.addi %scan3A_20, %scan3A_21 : i32
    %scan3A_23 = arith.constant 1 : i32
    %scan3A_24 = scf.for %scan3A_31 = %scan3A_20 to %scan3A_22 step %scan3A_23 iter_args(%scan3A_32 = %scan3A_19) -> (i32)  : i32 {
      "tpu.region"() ({
        %run_scoped3A = tpu.sem_alloc : memref<!tpu.dma_semaphore, #tpu.memory_space<semaphore_mem>>
        %dma_start3A = arith.constant 0 : i32
        %dma_start3A_34 = tpu.memref_slice %arg4[%scan3A_31, %dma_start3A] : memref<80x128xi32, #tpu.memory_space<vmem>> -> memref<1x128xi32, #tpu.memory_space<vmem>>
        %dma_start3A_35 = tpu.memref_squeeze %dma_start3A_34 : memref<1x128xi32, #tpu.memory_space<vmem>> -> memref<128xi32, #tpu.memory_space<vmem>>
        %dma_start3A_36 = arith.constant 0 : i32
        %dma_start3A_37 = tpu.memref_slice %arg7[%dma_start3A_36] : memref<10240xf32, #tpu.memory_space<vmem_shared>> -> memref<10240xf32, #tpu.memory_space<vmem_shared>>
        tpu.enqueue_indirect_dma source(%arg5 : memref<128xf32, #tpu.memory_space<vmem>>) target(%dma_start3A_37 : memref<10240xf32, #tpu.memory_space<vmem_shared>>) offsets(%dma_start3A_35 : memref<128xi32, #tpu.memory_space<vmem>>) semaphore(%run_scoped3A : memref<!tpu.dma_semaphore, #tpu.memory_space<semaphore_mem>>) {add = true}
        %dma_wait3A = arith.constant 0 : i32
        %dma_wait3A_38 = tpu.memref_slice %arg4[%scan3A_31, %dma_wait3A] : memref<80x128xi32, #tpu.memory_space<vmem>> -> memref<1x128xi32, #tpu.memory_space<vmem>>
        %dma_wait3A_39 = tpu.memref_squeeze %dma_wait3A_38 : memref<1x128xi32, #tpu.memory_space<vmem>> -> memref<128xi32, #tpu.memory_space<vmem>>
        %dma_wait3A_40 = arith.constant 0 : i32
        %dma_wait3A_41 = tpu.memref_slice %arg7[%dma_wait3A_40] : memref<10240xf32, #tpu.memory_space<vmem_shared>> -> memref<10240xf32, #tpu.memory_space<vmem_shared>>
        tpu.wait_indirect_dma semaphore(%run_scoped3A : memref<!tpu.dma_semaphore, #tpu.memory_space<semaphore_mem>>) src(%arg5 : memref<128xf32, #tpu.memory_space<vmem>>) dst(%dma_wait3A_41 : memref<10240xf32, #tpu.memory_space<vmem_shared>>)
        tpu.yield
      }) : () -> ()
      %scan3A_33 = arith.constant 0 : i32
      scf.yield %scan3A_33 : i32
    }
    %scan3A_25 = arith.constant 80 : i32
    %barrier3A_26 = arith.constant 0 : index
    tpu.barrier barrier_id(%barrier3A_26)
    %mul3A_27 = arith.constant 640 : i32
    %mul3A_28 = arith.muli %arg1, %mul3A_27 : i32
    %mul3A_29 = arith.constant 640 : i32
    %mul3A_30 = arith.muli %arg1, %mul3A_29 : i32
    "tpu.region"() ({
      %run_scoped3A = tpu.sem_alloc : memref<!tpu.dma_semaphore, #tpu.memory_space<semaphore_mem>>
      %dma_start3A = tpu.memref_slice %arg3[%arg0, %mul3A_30] : memref<2x10240xf32, #tpu.memory_space<hbm>> -> memref<1x640xf32, #tpu.memory_space<hbm>>
      %dma_start3A_31 = tpu.memref_squeeze %dma_start3A : memref<1x640xf32, #tpu.memory_space<hbm>> -> memref<640xf32, #tpu.memory_space<hbm>>
      %dma_start3A_32 = tpu.memref_slice %arg7[%mul3A_28] : memref<10240xf32, #tpu.memory_space<vmem_shared>> -> memref<640xf32, #tpu.memory_space<vmem_shared>>
      tpu.enqueue_dma source(%dma_start3A_32 : memref<640xf32, #tpu.memory_space<vmem_shared>>) target(%dma_start3A_31 : memref<640xf32, #tpu.memory_space<hbm>>) target_semaphore(%run_scoped3A : memref<!tpu.dma_semaphore, #tpu.memory_space<semaphore_mem>>)
      %dma_wait3A = tpu.memref_slice %arg3[%arg0, %mul3A_30] : memref<2x10240xf32, #tpu.memory_space<hbm>> -> memref<1x640xf32, #tpu.memory_space<hbm>>
      %dma_wait3A_33 = tpu.memref_squeeze %dma_wait3A : memref<1x640xf32, #tpu.memory_space<hbm>> -> memref<640xf32, #tpu.memory_space<hbm>>
      %dma_wait3A_34 = tpu.memref_slice %arg7[%mul3A_28] : memref<10240xf32, #tpu.memory_space<vmem_shared>> -> memref<640xf32, #tpu.memory_space<vmem_shared>>
      tpu.wait_dma2 semaphore(%run_scoped3A : memref<!tpu.dma_semaphore, #tpu.memory_space<semaphore_mem>>) src(%dma_wait3A_34 : memref<640xf32, #tpu.memory_space<vmem_shared>>) dst(%dma_wait3A_33 : memref<640xf32, #tpu.memory_space<hbm>>)
      tpu.yield
    }) : () -> ()
    return
  }
}

#map = affine_map<(d0, d1) -> (0, 0)>
#map1 = affine_map<(d0, d1) -> (0, 0, 0)>
module attributes {stable_mosaic.version = 14 : i64} {
  func.func @_sc_hop(%arg0: i32, %arg1: i32, %arg2: memref<10240x48xf32, #tpu.memory_space<hbm>>, %arg3: memref<2560x128xi32, #tpu.memory_space<hbm>>, %arg4: memref<2560x128xi32, #tpu.memory_space<hbm>>, %arg5: memref<2x10240x48xf32, #tpu.memory_space<hbm>>, %arg6: memref<80x128xi32, #tpu.memory_space<vmem>>, %arg7: memref<80x128xi32, #tpu.memory_space<vmem>>, %arg8: memref<128x48xf32, #tpu.memory_space<vmem>>, %arg9: memref<128x48xf32, #tpu.memory_space<vmem>>, %arg10: memref<640x48xf32, #tpu.memory_space<vmem>>, %arg11: memref<10240x48xf32, #tpu.memory_space<vmem_shared>>, %arg12: memref<!tpu.dma_semaphore, #tpu.memory_space<semaphore_mem>>, %arg13: memref<!tpu.dma_semaphore, #tpu.memory_space<semaphore_mem>>) attributes {dimension_semantics = [#tpu.dimension_semantics<core_parallel>, #tpu.dimension_semantics<subcore_parallel>], iteration_bounds = array<i64: 2, 16>, scalar_prefetch = 0 : i64, scratch_operands = 8 : i64, tpu.core_type = #tpu.core_type<sc_vector_subcore>, window_params = [{transform_indices = #map}, {transform_indices = #map}, {transform_indices = #map}, {transform_indices = #map1}]} {
    %mul3A = arith.constant 16 : i32
    %mul3A_0 = arith.muli %arg0, %mul3A : i32
    %add3A = arith.addi %mul3A_0, %arg1 : i32
    %broadcast_in_dim3A = arith.constant 0.000000e+00 : f32
    %broadcast_in_dim3A_1 = vector.broadcast %broadcast_in_dim3A : f32 to vector<16xf32>
    %scan3A = arith.constant 0 : i32
    %scan3A_2 = arith.constant 0 : i32
    %scan3A_3 = arith.constant 640 : i32
    %scan3A_4 = arith.addi %scan3A_2, %scan3A_3 : i32
    %scan3A_5 = arith.constant 1 : i32
    %scan3A_6 = scf.for %scan3A_32 = %scan3A_2 to %scan3A_4 step %scan3A_5 iter_args(%scan3A_33 = %scan3A) -> (i32)  : i32 {
      %swap3A = arith.index_cast %scan3A_32 : i32 to index
      %swap3A_34 = arith.constant 0 : index
      %swap3A_35 = tpu.vector_load %arg10[%swap3A, %swap3A_34] {strides = array<i32>} : memref<640x48xf32, #tpu.memory_space<vmem>>, vector<1x16xf32>,
      %swap3A_36 = vector.shape_cast %swap3A_35 : vector<1x16xf32> to vector<16xf32>
      %swap3A_37 = vector.shape_cast %broadcast_in_dim3A_1 : vector<16xf32> to vector<1x16xf32>
      tpu.vector_store %arg10[%swap3A, %swap3A_34], %swap3A_37 {strides = array<i32>} : memref<640x48xf32, #tpu.memory_space<vmem>>, vector<1x16xf32>,
      %swap3A_38 = arith.index_cast %scan3A_32 : i32 to index
      %swap3A_39 = arith.constant 16 : index
      %swap3A_40 = tpu.vector_load %arg10[%swap3A_38, %swap3A_39] {strides = array<i32>} : memref<640x48xf32, #tpu.memory_space<vmem>>, vector<1x16xf32>,
      %swap3A_41 = vector.shape_cast %swap3A_40 : vector<1x16xf32> to vector<16xf32>
      %swap3A_42 = vector.shape_cast %broadcast_in_dim3A_1 : vector<16xf32> to vector<1x16xf32>
      tpu.vector_store %arg10[%swap3A_38, %swap3A_39], %swap3A_42 {strides = array<i32>} : memref<640x48xf32, #tpu.memory_space<vmem>>, vector<1x16xf32>,
      %swap3A_43 = arith.index_cast %scan3A_32 : i32 to index
      %swap3A_44 = arith.constant 32 : index
      %swap3A_45 = tpu.vector_load %arg10[%swap3A_43, %swap3A_44] {strides = array<i32>} : memref<640x48xf32, #tpu.memory_space<vmem>>, vector<1x16xf32>,
      %swap3A_46 = vector.shape_cast %swap3A_45 : vector<1x16xf32> to vector<16xf32>
      %swap3A_47 = vector.shape_cast %broadcast_in_dim3A_1 : vector<16xf32> to vector<1x16xf32>
      tpu.vector_store %arg10[%swap3A_43, %swap3A_44], %swap3A_47 {strides = array<i32>} : memref<640x48xf32, #tpu.memory_space<vmem>>, vector<1x16xf32>,
      %scan3A_48 = arith.constant 0 : i32
      scf.yield %scan3A_48 : i32
    }
    %scan3A_7 = arith.constant 640 : i32
    %mul3A_8 = arith.constant 640 : i32
    %mul3A_9 = arith.muli %arg1, %mul3A_8 : i32
    "tpu.region"() ({
      %run_scoped3A = tpu.sem_alloc : memref<!tpu.dma_semaphore, #tpu.memory_space<semaphore_mem>>
      %dma_start3A_32 = arith.constant 0 : i32
      %dma_start3A_33 = tpu.memref_slice %arg11[%mul3A_9, %dma_start3A_32] : memref<10240x48xf32, #tpu.memory_space<vmem_shared>> -> memref<640x48xf32, #tpu.memory_space<vmem_shared>>
      %dma_start3A_34 = arith.constant 0 : i32
      %dma_start3A_35 = tpu.memref_slice %arg11[%mul3A_9, %dma_start3A_34] : memref<10240x48xf32, #tpu.memory_space<vmem_shared>> -> memref<640x48xf32, #tpu.memory_space<vmem_shared>>
      tpu.enqueue_dma source(%arg10 : memref<640x48xf32, #tpu.memory_space<vmem>>) target(%dma_start3A_35 : memref<640x48xf32, #tpu.memory_space<vmem_shared>>) target_semaphore(%run_scoped3A : memref<!tpu.dma_semaphore, #tpu.memory_space<semaphore_mem>>)
      %dma_wait3A = arith.constant 0 : i32
      %dma_wait3A_36 = tpu.memref_slice %arg11[%mul3A_9, %dma_wait3A] : memref<10240x48xf32, #tpu.memory_space<vmem_shared>> -> memref<640x48xf32, #tpu.memory_space<vmem_shared>>
      %dma_wait3A_37 = arith.constant 0 : i32
      %dma_wait3A_38 = tpu.memref_slice %arg11[%mul3A_9, %dma_wait3A_37] : memref<10240x48xf32, #tpu.memory_space<vmem_shared>> -> memref<640x48xf32, #tpu.memory_space<vmem_shared>>
      tpu.wait_dma2 semaphore(%run_scoped3A : memref<!tpu.dma_semaphore, #tpu.memory_space<semaphore_mem>>) src(%arg10 : memref<640x48xf32, #tpu.memory_space<vmem>>) dst(%dma_wait3A_38 : memref<640x48xf32, #tpu.memory_space<vmem_shared>>)
      tpu.yield
    }) : () -> ()
    %mul3A_10 = arith.constant 80 : i32
    %mul3A_11 = arith.muli %add3A, %mul3A_10 : i32
    "tpu.region"() ({
      %run_scoped3A = tpu.sem_alloc : memref<!tpu.dma_semaphore, #tpu.memory_space<semaphore_mem>>
      %dma_start3A_32 = arith.constant 0 : i32
      %dma_start3A_33 = tpu.memref_slice %arg3[%mul3A_11, %dma_start3A_32] : memref<2560x128xi32, #tpu.memory_space<hbm>> -> memref<80x128xi32, #tpu.memory_space<hbm>>
      %dma_start3A_34 = arith.constant 0 : i32
      %dma_start3A_35 = tpu.memref_slice %arg3[%mul3A_11, %dma_start3A_34] : memref<2560x128xi32, #tpu.memory_space<hbm>> -> memref<80x128xi32, #tpu.memory_space<hbm>>
      tpu.enqueue_dma source(%dma_start3A_35 : memref<80x128xi32, #tpu.memory_space<hbm>>) target(%arg6 : memref<80x128xi32, #tpu.memory_space<vmem>>) target_semaphore(%run_scoped3A : memref<!tpu.dma_semaphore, #tpu.memory_space<semaphore_mem>>)
      %dma_wait3A = arith.constant 0 : i32
      %dma_wait3A_36 = tpu.memref_slice %arg3[%mul3A_11, %dma_wait3A] : memref<2560x128xi32, #tpu.memory_space<hbm>> -> memref<80x128xi32, #tpu.memory_space<hbm>>
      %dma_wait3A_37 = arith.constant 0 : i32
      %dma_wait3A_38 = tpu.memref_slice %arg3[%mul3A_11, %dma_wait3A_37] : memref<2560x128xi32, #tpu.memory_space<hbm>> -> memref<80x128xi32, #tpu.memory_space<hbm>>
      tpu.wait_dma2 semaphore(%run_scoped3A : memref<!tpu.dma_semaphore, #tpu.memory_space<semaphore_mem>>) src(%dma_wait3A_38 : memref<80x128xi32, #tpu.memory_space<hbm>>) dst(%arg6 : memref<80x128xi32, #tpu.memory_space<vmem>>)
      tpu.yield
    }) : () -> ()
    %mul3A_12 = arith.constant 80 : i32
    %mul3A_13 = arith.muli %add3A, %mul3A_12 : i32
    "tpu.region"() ({
      %run_scoped3A = tpu.sem_alloc : memref<!tpu.dma_semaphore, #tpu.memory_space<semaphore_mem>>
      %dma_start3A_32 = arith.constant 0 : i32
      %dma_start3A_33 = tpu.memref_slice %arg4[%mul3A_13, %dma_start3A_32] : memref<2560x128xi32, #tpu.memory_space<hbm>> -> memref<80x128xi32, #tpu.memory_space<hbm>>
      %dma_start3A_34 = arith.constant 0 : i32
      %dma_start3A_35 = tpu.memref_slice %arg4[%mul3A_13, %dma_start3A_34] : memref<2560x128xi32, #tpu.memory_space<hbm>> -> memref<80x128xi32, #tpu.memory_space<hbm>>
      tpu.enqueue_dma source(%dma_start3A_35 : memref<80x128xi32, #tpu.memory_space<hbm>>) target(%arg7 : memref<80x128xi32, #tpu.memory_space<vmem>>) target_semaphore(%run_scoped3A : memref<!tpu.dma_semaphore, #tpu.memory_space<semaphore_mem>>)
      %dma_wait3A = arith.constant 0 : i32
      %dma_wait3A_36 = tpu.memref_slice %arg4[%mul3A_13, %dma_wait3A] : memref<2560x128xi32, #tpu.memory_space<hbm>> -> memref<80x128xi32, #tpu.memory_space<hbm>>
      %dma_wait3A_37 = arith.constant 0 : i32
      %dma_wait3A_38 = tpu.memref_slice %arg4[%mul3A_13, %dma_wait3A_37] : memref<2560x128xi32, #tpu.memory_space<hbm>> -> memref<80x128xi32, #tpu.memory_space<hbm>>
      tpu.wait_dma2 semaphore(%run_scoped3A : memref<!tpu.dma_semaphore, #tpu.memory_space<semaphore_mem>>) src(%dma_wait3A_38 : memref<80x128xi32, #tpu.memory_space<hbm>>) dst(%arg7 : memref<80x128xi32, #tpu.memory_space<vmem>>)
      tpu.yield
    }) : () -> ()
    %barrier3A = arith.constant 0 : index
    tpu.barrier barrier_id(%barrier3A)
    %dma_start3A = arith.constant 0 : i32
    %dma_start3A_14 = arith.constant 0 : i32
    %dma_start3A_15 = tpu.memref_slice %arg6[%dma_start3A, %dma_start3A_14] : memref<80x128xi32, #tpu.memory_space<vmem>> -> memref<1x128xi32, #tpu.memory_space<vmem>>
    %dma_start3A_16 = tpu.memref_squeeze %dma_start3A_15 : memref<1x128xi32, #tpu.memory_space<vmem>> -> memref<128xi32, #tpu.memory_space<vmem>>
    %dma_start3A_17 = arith.constant 0 : i32
    %dma_start3A_18 = arith.constant 0 : i32
    %dma_start3A_19 = tpu.memref_slice %arg2[%dma_start3A_17, %dma_start3A_18] : memref<10240x48xf32, #tpu.memory_space<hbm>> -> memref<10240x48xf32, #tpu.memory_space<hbm>>
    tpu.enqueue_indirect_dma source(%dma_start3A_19 : memref<10240x48xf32, #tpu.memory_space<hbm>>) target(%arg8 : memref<128x48xf32, #tpu.memory_space<vmem>>) offsets(%dma_start3A_16 : memref<128xi32, #tpu.memory_space<vmem>>) semaphore(%arg12 : memref<!tpu.dma_semaphore, #tpu.memory_space<semaphore_mem>>)
    %scan3A_20 = arith.constant 0 : i32
    %scan3A_21 = arith.constant 0 : i32
    %scan3A_22 = arith.constant 40 : i32
    %scan3A_23 = arith.addi %scan3A_21, %scan3A_22 : i32
    %scan3A_24 = arith.constant 1 : i32
    %scan3A_25 = scf.for %scan3A_32 = %scan3A_21 to %scan3A_23 step %scan3A_24 iter_args(%scan3A_33 = %scan3A_20) -> (i32)  : i32 {
      %mul3A_34 = arith.constant 2 : i32
      %mul3A_35 = arith.muli %mul3A_34, %scan3A_32 : i32
      %dma_wait3A = arith.constant 0 : i32
      %dma_wait3A_36 = tpu.memref_slice %arg6[%mul3A_35, %dma_wait3A] : memref<80x128xi32, #tpu.memory_space<vmem>> -> memref<1x128xi32, #tpu.memory_space<vmem>>
      %dma_wait3A_37 = tpu.memref_squeeze %dma_wait3A_36 : memref<1x128xi32, #tpu.memory_space<vmem>> -> memref<128xi32, #tpu.memory_space<vmem>>
      %dma_wait3A_38 = arith.constant 0 : i32
      %dma_wait3A_39 = arith.constant 0 : i32
      %dma_wait3A_40 = tpu.memref_slice %arg2[%dma_wait3A_38, %dma_wait3A_39] : memref<10240x48xf32, #tpu.memory_space<hbm>> -> memref<10240x48xf32, #tpu.memory_space<hbm>>
      tpu.wait_indirect_dma semaphore(%arg12 : memref<!tpu.dma_semaphore, #tpu.memory_space<semaphore_mem>>) src(%dma_wait3A_40 : memref<10240x48xf32, #tpu.memory_space<hbm>>) dst(%arg8 : memref<128x48xf32, #tpu.memory_space<vmem>>)
      %add3A_41 = arith.constant 1 : i32
      %add3A_42 = arith.addi %mul3A_35, %add3A_41 : i32
      %lt3A = arith.constant 80 : i32
      %lt3A_43 = arith.cmpi slt, %add3A_42, %lt3A : i32
      %convert_element_type3A = arith.extui %lt3A_43 : i1 to i32
      %cond3A = arith.constant 0 : i32
      %cond3A_44 = arith.cmpi ne, %convert_element_type3A, %cond3A : i32
      scf.if %cond3A_44 {
        %add3A_53 = arith.constant 1 : i32
        %add3A_54 = arith.addi %mul3A_35, %add3A_53 : i32
        %dma_start3A_55 = arith.constant 0 : i32
        %dma_start3A_56 = tpu.memref_slice %arg6[%add3A_54, %dma_start3A_55] : memref<80x128xi32, #tpu.memory_space<vmem>> -> memref<1x128xi32, #tpu.memory_space<vmem>>
        %dma_start3A_57 = tpu.memref_squeeze %dma_start3A_56 : memref<1x128xi32, #tpu.memory_space<vmem>> -> memref<128xi32, #tpu.memory_space<vmem>>
        %dma_start3A_58 = arith.constant 0 : i32
        %dma_start3A_59 = arith.constant 0 : i32
        %dma_start3A_60 = tpu.memref_slice %arg2[%dma_start3A_58, %dma_start3A_59] : memref<10240x48xf32, #tpu.memory_space<hbm>> -> memref<10240x48xf32, #tpu.memory_space<hbm>>
        tpu.enqueue_indirect_dma source(%dma_start3A_60 : memref<10240x48xf32, #tpu.memory_space<hbm>>) target(%arg9 : memref<128x48xf32, #tpu.memory_space<vmem>>) offsets(%dma_start3A_57 : memref<128xi32, #tpu.memory_space<vmem>>) semaphore(%arg13 : memref<!tpu.dma_semaphore, #tpu.memory_space<semaphore_mem>>)
      } else {
      }
      "tpu.region"() ({
        %run_scoped3A = tpu.sem_alloc : memref<!tpu.dma_semaphore, #tpu.memory_space<semaphore_mem>>
        %dma_start3A_53 = arith.constant 0 : i32
        %dma_start3A_54 = tpu.memref_slice %arg7[%mul3A_35, %dma_start3A_53] : memref<80x128xi32, #tpu.memory_space<vmem>> -> memref<1x128xi32, #tpu.memory_space<vmem>>
        %dma_start3A_55 = tpu.memref_squeeze %dma_start3A_54 : memref<1x128xi32, #tpu.memory_space<vmem>> -> memref<128xi32, #tpu.memory_space<vmem>>
        %dma_start3A_56 = arith.constant 0 : i32
        %dma_start3A_57 = arith.constant 0 : i32
        %dma_start3A_58 = tpu.memref_slice %arg11[%dma_start3A_56, %dma_start3A_57] : memref<10240x48xf32, #tpu.memory_space<vmem_shared>> -> memref<10240x48xf32, #tpu.memory_space<vmem_shared>>
        tpu.enqueue_indirect_dma source(%arg8 : memref<128x48xf32, #tpu.memory_space<vmem>>) target(%dma_start3A_58 : memref<10240x48xf32, #tpu.memory_space<vmem_shared>>) offsets(%dma_start3A_55 : memref<128xi32, #tpu.memory_space<vmem>>) semaphore(%run_scoped3A : memref<!tpu.dma_semaphore, #tpu.memory_space<semaphore_mem>>) {add = true}
        %dma_wait3A_59 = arith.constant 0 : i32
        %dma_wait3A_60 = tpu.memref_slice %arg7[%mul3A_35, %dma_wait3A_59] : memref<80x128xi32, #tpu.memory_space<vmem>> -> memref<1x128xi32, #tpu.memory_space<vmem>>
        %dma_wait3A_61 = tpu.memref_squeeze %dma_wait3A_60 : memref<1x128xi32, #tpu.memory_space<vmem>> -> memref<128xi32, #tpu.memory_space<vmem>>
        %dma_wait3A_62 = arith.constant 0 : i32
        %dma_wait3A_63 = arith.constant 0 : i32
        %dma_wait3A_64 = tpu.memref_slice %arg11[%dma_wait3A_62, %dma_wait3A_63] : memref<10240x48xf32, #tpu.memory_space<vmem_shared>> -> memref<10240x48xf32, #tpu.memory_space<vmem_shared>>
        tpu.wait_indirect_dma semaphore(%run_scoped3A : memref<!tpu.dma_semaphore, #tpu.memory_space<semaphore_mem>>) src(%arg8 : memref<128x48xf32, #tpu.memory_space<vmem>>) dst(%dma_wait3A_64 : memref<10240x48xf32, #tpu.memory_space<vmem_shared>>)
        tpu.yield
      }) : () -> ()
      %add3A_45 = arith.constant 1 : i32
      %add3A_46 = arith.addi %mul3A_35, %add3A_45 : i32
      %lt3A_47 = arith.constant 80 : i32
      %lt3A_48 = arith.cmpi slt, %add3A_46, %lt3A_47 : i32
      %convert_element_type3A_49 = arith.extui %lt3A_48 : i1 to i32
      %cond3A_50 = arith.constant 0 : i32
      %cond3A_51 = arith.cmpi ne, %convert_element_type3A_49, %cond3A_50 : i32
      scf.if %cond3A_51 {
        %add3A_53 = arith.constant 1 : i32
        %add3A_54 = arith.addi %mul3A_35, %add3A_53 : i32
        %dma_wait3A_55 = arith.constant 0 : i32
        %dma_wait3A_56 = tpu.memref_slice %arg6[%add3A_54, %dma_wait3A_55] : memref<80x128xi32, #tpu.memory_space<vmem>> -> memref<1x128xi32, #tpu.memory_space<vmem>>
        %dma_wait3A_57 = tpu.memref_squeeze %dma_wait3A_56 : memref<1x128xi32, #tpu.memory_space<vmem>> -> memref<128xi32, #tpu.memory_space<vmem>>
        %dma_wait3A_58 = arith.constant 0 : i32
        %dma_wait3A_59 = arith.constant 0 : i32
        %dma_wait3A_60 = tpu.memref_slice %arg2[%dma_wait3A_58, %dma_wait3A_59] : memref<10240x48xf32, #tpu.memory_space<hbm>> -> memref<10240x48xf32, #tpu.memory_space<hbm>>
        tpu.wait_indirect_dma semaphore(%arg13 : memref<!tpu.dma_semaphore, #tpu.memory_space<semaphore_mem>>) src(%dma_wait3A_60 : memref<10240x48xf32, #tpu.memory_space<hbm>>) dst(%arg9 : memref<128x48xf32, #tpu.memory_space<vmem>>)
        %add3A_61 = arith.constant 2 : i32
        %add3A_62 = arith.addi %mul3A_35, %add3A_61 : i32
        %lt3A_63 = arith.constant 80 : i32
        %lt3A_64 = arith.cmpi slt, %add3A_62, %lt3A_63 : i32
        %convert_element_type3A_65 = arith.extui %lt3A_64 : i1 to i32
        %cond3A_66 = arith.constant 0 : i32
        %cond3A_67 = arith.cmpi ne, %convert_element_type3A_65, %cond3A_66 : i32
        scf.if %cond3A_67 {
          %add3A_70 = arith.constant 2 : i32
          %add3A_71 = arith.addi %mul3A_35, %add3A_70 : i32
          %dma_start3A_72 = arith.constant 0 : i32
          %dma_start3A_73 = tpu.memref_slice %arg6[%add3A_71, %dma_start3A_72] : memref<80x128xi32, #tpu.memory_space<vmem>> -> memref<1x128xi32, #tpu.memory_space<vmem>>
          %dma_start3A_74 = tpu.memref_squeeze %dma_start3A_73 : memref<1x128xi32, #tpu.memory_space<vmem>> -> memref<128xi32, #tpu.memory_space<vmem>>
          %dma_start3A_75 = arith.constant 0 : i32
          %dma_start3A_76 = arith.constant 0 : i32
          %dma_start3A_77 = tpu.memref_slice %arg2[%dma_start3A_75, %dma_start3A_76] : memref<10240x48xf32, #tpu.memory_space<hbm>> -> memref<10240x48xf32, #tpu.memory_space<hbm>>
          tpu.enqueue_indirect_dma source(%dma_start3A_77 : memref<10240x48xf32, #tpu.memory_space<hbm>>) target(%arg8 : memref<128x48xf32, #tpu.memory_space<vmem>>) offsets(%dma_start3A_74 : memref<128xi32, #tpu.memory_space<vmem>>) semaphore(%arg12 : memref<!tpu.dma_semaphore, #tpu.memory_space<semaphore_mem>>)
        } else {
        }
        %add3A_68 = arith.constant 1 : i32
        %add3A_69 = arith.addi %mul3A_35, %add3A_68 : i32
        "tpu.region"() ({
          %run_scoped3A = tpu.sem_alloc : memref<!tpu.dma_semaphore, #tpu.memory_space<semaphore_mem>>
          %dma_start3A_70 = arith.constant 0 : i32
          %dma_start3A_71 = tpu.memref_slice %arg7[%add3A_69, %dma_start3A_70] : memref<80x128xi32, #tpu.memory_space<vmem>> -> memref<1x128xi32, #tpu.memory_space<vmem>>
          %dma_start3A_72 = tpu.memref_squeeze %dma_start3A_71 : memref<1x128xi32, #tpu.memory_space<vmem>> -> memref<128xi32, #tpu.memory_space<vmem>>
          %dma_start3A_73 = arith.constant 0 : i32
          %dma_start3A_74 = arith.constant 0 : i32
          %dma_start3A_75 = tpu.memref_slice %arg11[%dma_start3A_73, %dma_start3A_74] : memref<10240x48xf32, #tpu.memory_space<vmem_shared>> -> memref<10240x48xf32, #tpu.memory_space<vmem_shared>>
          tpu.enqueue_indirect_dma source(%arg9 : memref<128x48xf32, #tpu.memory_space<vmem>>) target(%dma_start3A_75 : memref<10240x48xf32, #tpu.memory_space<vmem_shared>>) offsets(%dma_start3A_72 : memref<128xi32, #tpu.memory_space<vmem>>) semaphore(%run_scoped3A : memref<!tpu.dma_semaphore, #tpu.memory_space<semaphore_mem>>) {add = true}
          %dma_wait3A_76 = arith.constant 0 : i32
          %dma_wait3A_77 = tpu.memref_slice %arg7[%add3A_69, %dma_wait3A_76] : memref<80x128xi32, #tpu.memory_space<vmem>> -> memref<1x128xi32, #tpu.memory_space<vmem>>
          %dma_wait3A_78 = tpu.memref_squeeze %dma_wait3A_77 : memref<1x128xi32, #tpu.memory_space<vmem>> -> memref<128xi32, #tpu.memory_space<vmem>>
          %dma_wait3A_79 = arith.constant 0 : i32
          %dma_wait3A_80 = arith.constant 0 : i32
          %dma_wait3A_81 = tpu.memref_slice %arg11[%dma_wait3A_79, %dma_wait3A_80] : memref<10240x48xf32, #tpu.memory_space<vmem_shared>> -> memref<10240x48xf32, #tpu.memory_space<vmem_shared>>
          tpu.wait_indirect_dma semaphore(%run_scoped3A : memref<!tpu.dma_semaphore, #tpu.memory_space<semaphore_mem>>) src(%arg9 : memref<128x48xf32, #tpu.memory_space<vmem>>) dst(%dma_wait3A_81 : memref<10240x48xf32, #tpu.memory_space<vmem_shared>>)
          tpu.yield
        }) : () -> ()
      } else {
      }
      %scan3A_52 = arith.constant 0 : i32
      scf.yield %scan3A_52 : i32
    }
    %scan3A_26 = arith.constant 40 : i32
    %barrier3A_27 = arith.constant 0 : index
    tpu.barrier barrier_id(%barrier3A_27)
    %mul3A_28 = arith.constant 640 : i32
    %mul3A_29 = arith.muli %arg1, %mul3A_28 : i32
    %mul3A_30 = arith.constant 640 : i32
    %mul3A_31 = arith.muli %arg1, %mul3A_30 : i32
    "tpu.region"() ({
      %run_scoped3A = tpu.sem_alloc : memref<!tpu.dma_semaphore, #tpu.memory_space<semaphore_mem>>
      %dma_start3A_32 = arith.constant 0 : i32
      %dma_start3A_33 = tpu.memref_slice %arg5[%arg0, %mul3A_31, %dma_start3A_32] : memref<2x10240x48xf32, #tpu.memory_space<hbm>> -> memref<1x640x48xf32, #tpu.memory_space<hbm>>
      %dma_start3A_34 = tpu.memref_squeeze %dma_start3A_33 : memref<1x640x48xf32, #tpu.memory_space<hbm>> -> memref<640x48xf32, #tpu.memory_space<hbm>>
      %dma_start3A_35 = arith.constant 0 : i32
      %dma_start3A_36 = tpu.memref_slice %arg11[%mul3A_29, %dma_start3A_35] : memref<10240x48xf32, #tpu.memory_space<vmem_shared>> -> memref<640x48xf32, #tpu.memory_space<vmem_shared>>
      tpu.enqueue_dma source(%dma_start3A_36 : memref<640x48xf32, #tpu.memory_space<vmem_shared>>) target(%dma_start3A_34 : memref<640x48xf32, #tpu.memory_space<hbm>>) target_semaphore(%run_scoped3A : memref<!tpu.dma_semaphore, #tpu.memory_space<semaphore_mem>>)
      %dma_wait3A = arith.constant 0 : i32
      %dma_wait3A_37 = tpu.memref_slice %arg5[%arg0, %mul3A_31, %dma_wait3A] : memref<2x10240x48xf32, #tpu.memory_space<hbm>> -> memref<1x640x48xf32, #tpu.memory_space<hbm>>
      %dma_wait3A_38 = tpu.memref_squeeze %dma_wait3A_37 : memref<1x640x48xf32, #tpu.memory_space<hbm>> -> memref<640x48xf32, #tpu.memory_space<hbm>>
      %dma_wait3A_39 = arith.constant 0 : i32
      %dma_wait3A_40 = tpu.memref_slice %arg11[%mul3A_29, %dma_wait3A_39] : memref<10240x48xf32, #tpu.memory_space<vmem_shared>> -> memref<640x48xf32, #tpu.memory_space<vmem_shared>>
      tpu.wait_dma2 semaphore(%run_scoped3A : memref<!tpu.dma_semaphore, #tpu.memory_space<semaphore_mem>>) src(%dma_wait3A_40 : memref<640x48xf32, #tpu.memory_space<vmem_shared>>) dst(%dma_wait3A_38 : memref<640x48xf32, #tpu.memory_space<hbm>>)
      tpu.yield
    }) : () -> ()
    return
  }
}

module attributes {stable_mosaic.version = 14 : i64} {
  func.func @body(%arg0: i32, %arg1: memref<512x128xf32, #tpu.memory_space<vmem>>, %arg2: memref<128x48xf32, #tpu.memory_space<vmem>>, %arg3: memref<2x512xf32, #tpu.memory_space<vmem>>, %arg4: memref<512x48xf32, #tpu.memory_space<vmem>>) attributes {dimension_semantics = [#tpu.dimension_semantics<arbitrary>], iteration_bounds = array<i64: 20>, scalar_prefetch = 0 : i64, scratch_operands = 0 : i64, tpu.core_type = #tpu.core_type<tc>, window_params = [{transform_indices = @transform_0, window_bounds = array<i64: 512, 128>}, {pipeline_mode = #tpu.pipeline_mode<synchronous>, transform_indices = @transform_1, window_bounds = array<i64: 128, 48>}, {transform_indices = @transform_2, window_bounds = array<i64: 2, 512>}, {transform_indices = @transform_3, window_bounds = array<i64: 512, 48>}]} {
    %get3A = arith.constant 0 : index
    %get3A_0 = arith.constant 0 : index
    %get3A_1 = vector.load %arg3[%get3A, %get3A_0] : memref<2x512xf32, #tpu.memory_space<vmem>>, vector<1x512xf32>
    %get3A_2 = vector.shape_cast %get3A_1 : vector<1x512xf32> to vector<512xf32>
    %get3A_3 = arith.constant 1 : index
    %get3A_4 = arith.constant 0 : index
    %get3A_5 = vector.load %arg3[%get3A_3, %get3A_4] : memref<2x512xf32, #tpu.memory_space<vmem>>, vector<1x512xf32>
    %get3A_6 = vector.shape_cast %get3A_5 : vector<1x512xf32> to vector<512xf32>
    %add3A = arith.addf %get3A_2, %get3A_6 : vector<512xf32>
    %add3A_7 = arith.constant 1.000000e+00 : f32
    %add3A_8 = vector.broadcast %add3A_7 : f32 to vector<512xf32>
    %add3A_9 = arith.addf %add3A, %add3A_8 : vector<512xf32>
    %rsqrt3A = math.rsqrt %add3A_9 : vector<512xf32>
    %get3A_10 = arith.constant 0 : index
    %get3A_11 = arith.constant 0 : index
    %get3A_12 = vector.load %arg1[%get3A_10, %get3A_11] : memref<512x128xf32, #tpu.memory_space<vmem>>, vector<512x128xf32>
    %get3A_13 = arith.constant 0 : index
    %get3A_14 = arith.constant 0 : index
    %get3A_15 = vector.load %arg2[%get3A_13, %get3A_14] : memref<128x48xf32, #tpu.memory_space<vmem>>, vector<128x48xf32>
    %dot_general3A = arith.constant dense<0.000000e+00> : vector<512x48xf32>
    %dot_general3A_16 = tpu.matmul %get3A_12, %get3A_15, %dot_general3A {dimension_numbers = #tpu.dot_dimension_numbers<[1], [0], [0], [1], [0, 0, 1, 1], [], []>, transpose_lhs_hint = false} : vector<512x128xf32>, vector<128x48xf32>, vector<512x48xf32> -> vector<512x48xf32>
    %broadcast_in_dim3A = vector.shape_cast %rsqrt3A : vector<512xf32> to vector<512x1xf32>
    %mul3A = vector.broadcast %broadcast_in_dim3A : vector<512x1xf32> to vector<512x48xf32>
    %mul3A_17 = arith.mulf %dot_general3A_16, %mul3A : vector<512x48xf32>
    %swap3A = arith.constant 0 : index
    %swap3A_18 = arith.constant 0 : index
    %swap3A_19 = vector.load %arg4[%swap3A, %swap3A_18] : memref<512x48xf32, #tpu.memory_space<vmem>>, vector<512x48xf32>
    tpu.vector_store %arg4[%swap3A, %swap3A_18], %mul3A_17 {strides = array<i32>} : memref<512x48xf32, #tpu.memory_space<vmem>>, vector<512x48xf32>,
    return
  }
  func.func @transform_0(%arg0: i32) -> (i32, i32) {
    %c0_i32 = arith.constant 0 : i32
    %c0_i32_0 = arith.constant 0 : i32
    return %arg0, %c0_i32 : i32, i32
  }
  func.func @transform_1(%arg0: i32) -> (i32, i32) {
    %c0_i32 = arith.constant 0 : i32
    %c0_i32_0 = arith.constant 0 : i32
    %c0_i32_1 = arith.constant 0 : i32
    return %c0_i32, %c0_i32_0 : i32, i32
  }
  func.func @transform_2(%arg0: i32) -> (i32, i32) {
    %c0_i32 = arith.constant 0 : i32
    %c0_i32_0 = arith.constant 0 : i32
    return %c0_i32, %arg0 : i32, i32
  }
  func.func @transform_3(%arg0: i32) -> (i32, i32) {
    %c0_i32 = arith.constant 0 : i32
    %c0_i32_0 = arith.constant 0 : i32
    return %arg0, %c0_i32 : i32, i32
  }
}

module attributes {stable_mosaic.version = 14 : i64} {
  func.func @body(%arg0: i32, %arg1: memref<512x48xf32, #tpu.memory_space<vmem>>, %arg2: memref<512x48xf32, #tpu.memory_space<vmem>>, %arg3: memref<512x48xf32, #tpu.memory_space<vmem>>, %arg4: memref<2x512xf32, #tpu.memory_space<vmem>>, %arg5: memref<512x48xf32, #tpu.memory_space<vmem>>) attributes {dimension_semantics = [#tpu.dimension_semantics<arbitrary>], iteration_bounds = array<i64: 20>, scalar_prefetch = 0 : i64, scratch_operands = 0 : i64, tpu.core_type = #tpu.core_type<tc>, window_params = [{transform_indices = @transform_0, window_bounds = array<i64: 512, 48>}, {transform_indices = @transform_1, window_bounds = array<i64: 512, 48>}, {transform_indices = @transform_2, window_bounds = array<i64: 512, 48>}, {transform_indices = @transform_3, window_bounds = array<i64: 2, 512>}, {transform_indices = @transform_4, window_bounds = array<i64: 512, 48>}]} {
    %get3A = arith.constant 0 : index
    %get3A_0 = arith.constant 0 : index
    %get3A_1 = vector.load %arg4[%get3A, %get3A_0] : memref<2x512xf32, #tpu.memory_space<vmem>>, vector<1x512xf32>
    %get3A_2 = vector.shape_cast %get3A_1 : vector<1x512xf32> to vector<512xf32>
    %get3A_3 = arith.constant 1 : index
    %get3A_4 = arith.constant 0 : index
    %get3A_5 = vector.load %arg4[%get3A_3, %get3A_4] : memref<2x512xf32, #tpu.memory_space<vmem>>, vector<1x512xf32>
    %get3A_6 = vector.shape_cast %get3A_5 : vector<1x512xf32> to vector<512xf32>
    %add3A = arith.addf %get3A_2, %get3A_6 : vector<512xf32>
    %add3A_7 = arith.constant 1.000000e+00 : f32
    %add3A_8 = vector.broadcast %add3A_7 : f32 to vector<512xf32>
    %add3A_9 = arith.addf %add3A, %add3A_8 : vector<512xf32>
    %get3A_10 = arith.constant 0 : index
    %get3A_11 = arith.constant 0 : index
    %get3A_12 = vector.load %arg1[%get3A_10, %get3A_11] : memref<512x48xf32, #tpu.memory_space<vmem>>, vector<512x48xf32>
    %get3A_13 = arith.constant 0 : index
    %get3A_14 = arith.constant 0 : index
    %get3A_15 = vector.load %arg2[%get3A_13, %get3A_14] : memref<512x48xf32, #tpu.memory_space<vmem>>, vector<512x48xf32>
    %add3A_16 = arith.addf %get3A_12, %get3A_15 : vector<512x48xf32>
    %get3A_17 = arith.constant 0 : index
    %get3A_18 = arith.constant 0 : index
    %get3A_19 = vector.load %arg3[%get3A_17, %get3A_18] : memref<512x48xf32, #tpu.memory_space<vmem>>, vector<512x48xf32>
    %add3A_20 = arith.addf %add3A_16, %get3A_19 : vector<512x48xf32>
    %div3A = arith.constant 1.000000e+00 : f32
    %div3A_21 = vector.broadcast %div3A : f32 to vector<512xf32>
    %div3A_22 = arith.divf %div3A_21, %add3A_9 : vector<512xf32>
    %broadcast_in_dim3A = vector.shape_cast %div3A_22 : vector<512xf32> to vector<512x1xf32>
    %mul3A = vector.broadcast %broadcast_in_dim3A : vector<512x1xf32> to vector<512x48xf32>
    %mul3A_23 = arith.mulf %add3A_20, %mul3A : vector<512x48xf32>
    %swap3A = arith.constant 0 : index
    %swap3A_24 = arith.constant 0 : index
    %swap3A_25 = vector.load %arg5[%swap3A, %swap3A_24] : memref<512x48xf32, #tpu.memory_space<vmem>>, vector<512x48xf32>
    tpu.vector_store %arg5[%swap3A, %swap3A_24], %mul3A_23 {strides = array<i32>} : memref<512x48xf32, #tpu.memory_space<vmem>>, vector<512x48xf32>,
    return
  }
  func.func @transform_0(%arg0: i32) -> (i32, i32) {
    %c0_i32 = arith.constant 0 : i32
    %c0_i32_0 = arith.constant 0 : i32
    return %arg0, %c0_i32 : i32, i32
  }
  func.func @transform_1(%arg0: i32) -> (i32, i32) {
    %c0_i32 = arith.constant 0 : i32
    %c0_i32_0 = arith.constant 0 : i32
    return %arg0, %c0_i32 : i32, i32
  }
  func.func @transform_2(%arg0: i32) -> (i32, i32) {
    %c0_i32 = arith.constant 0 : i32
    %c0_i32_0 = arith.constant 0 : i32
    return %arg0, %c0_i32 : i32, i32
  }
  func.func @transform_3(%arg0: i32) -> (i32, i32) {
    %c0_i32 = arith.constant 0 : i32
    %c0_i32_0 = arith.constant 0 : i32
    return %c0_i32, %arg0 : i32, i32
  }
  func.func @transform_4(%arg0: i32) -> (i32, i32) {
    %c0_i32 = arith.constant 0 : i32
    %c0_i32_0 = arith.constant 0 : i32
    return %arg0, %c0_i32 : i32, i32
  }
}

module attributes {stable_mosaic.version = 14 : i64} {
  func.func @body(%arg0: i32, %arg1: memref<1024x48xf32, #tpu.memory_space<vmem>>, %arg2: memref<1024x48xf32, #tpu.memory_space<vmem>>, %arg3: memref<1024x48xf32, #tpu.memory_space<vmem>>, %arg4: memref<2x1024xf32, #tpu.memory_space<vmem>>, %arg5: memref<1x48xf32, #tpu.memory_space<vmem>>, %arg6: memref<1024x48xf32, #tpu.memory_space<vmem>>) attributes {dimension_semantics = [#tpu.dimension_semantics<arbitrary>], iteration_bounds = array<i64: 10>, scalar_prefetch = 0 : i64, scratch_operands = 0 : i64, tpu.core_type = #tpu.core_type<tc>, window_params = [{transform_indices = @transform_0, window_bounds = array<i64: 1024, 48>}, {transform_indices = @transform_1, window_bounds = array<i64: 1024, 48>}, {transform_indices = @transform_2, window_bounds = array<i64: 1024, 48>}, {transform_indices = @transform_3, window_bounds = array<i64: 2, 1024>}, {pipeline_mode = #tpu.pipeline_mode<synchronous>, transform_indices = @transform_4, window_bounds = array<i64: 1, 48>}, {transform_indices = @transform_5, window_bounds = array<i64: 1024, 48>}]} {
    %get3A = arith.constant 0 : index
    %get3A_0 = arith.constant 0 : index
    %get3A_1 = vector.load %arg4[%get3A, %get3A_0] : memref<2x1024xf32, #tpu.memory_space<vmem>>, vector<1x1024xf32>
    %get3A_2 = vector.shape_cast %get3A_1 : vector<1x1024xf32> to vector<1024xf32>
    %get3A_3 = arith.constant 1 : index
    %get3A_4 = arith.constant 0 : index
    %get3A_5 = vector.load %arg4[%get3A_3, %get3A_4] : memref<2x1024xf32, #tpu.memory_space<vmem>>, vector<1x1024xf32>
    %get3A_6 = vector.shape_cast %get3A_5 : vector<1x1024xf32> to vector<1024xf32>
    %add3A = arith.addf %get3A_2, %get3A_6 : vector<1024xf32>
    %add3A_7 = arith.constant 1.000000e+00 : f32
    %add3A_8 = vector.broadcast %add3A_7 : f32 to vector<1024xf32>
    %add3A_9 = arith.addf %add3A, %add3A_8 : vector<1024xf32>
    %rsqrt3A = math.rsqrt %add3A_9 : vector<1024xf32>
    %get3A_10 = arith.constant 0 : index
    %get3A_11 = arith.constant 0 : index
    %get3A_12 = vector.load %arg1[%get3A_10, %get3A_11] : memref<1024x48xf32, #tpu.memory_space<vmem>>, vector<1024x48xf32>
    %get3A_13 = arith.constant 0 : index
    %get3A_14 = arith.constant 0 : index
    %get3A_15 = vector.load %arg2[%get3A_13, %get3A_14] : memref<1024x48xf32, #tpu.memory_space<vmem>>, vector<1024x48xf32>
    %add3A_16 = arith.addf %get3A_12, %get3A_15 : vector<1024x48xf32>
    %get3A_17 = arith.constant 0 : index
    %get3A_18 = arith.constant 0 : index
    %get3A_19 = vector.load %arg3[%get3A_17, %get3A_18] : memref<1024x48xf32, #tpu.memory_space<vmem>>, vector<1024x48xf32>
    %add3A_20 = arith.addf %add3A_16, %get3A_19 : vector<1024x48xf32>
    %broadcast_in_dim3A = vector.shape_cast %rsqrt3A : vector<1024xf32> to vector<1024x1xf32>
    %mul3A = vector.broadcast %broadcast_in_dim3A : vector<1024x1xf32> to vector<1024x48xf32>
    %mul3A_21 = arith.mulf %add3A_20, %mul3A : vector<1024x48xf32>
    %get3A_22 = arith.constant 0 : index
    %get3A_23 = arith.constant 0 : index
    %get3A_24 = vector.load %arg5[%get3A_22, %get3A_23] : memref<1x48xf32, #tpu.memory_space<vmem>>, vector<1x48xf32>
    %add3A_25 = vector.broadcast %get3A_24 : vector<1x48xf32> to vector<1024x48xf32>
    %add3A_26 = arith.addf %mul3A_21, %add3A_25 : vector<1024x48xf32>
    %iota3A = tpu.iota {dimensions = array<i32: 1>} : vector<1024x48xi32>
    %lt3A = arith.constant 40 : i32
    %lt3A_27 = vector.broadcast %lt3A : i32 to vector<1024x48xi32>
    %lt3A_28 = arith.cmpi slt, %iota3A, %lt3A_27 : vector<1024x48xi32>
    %jit3A = arith.constant -1.000000e+30 : f32
    %broadcast_in_dim3A_29 = vector.broadcast %jit3A : f32 to vector<1024x48xf32>
    %select_n3A = arith.select %lt3A_28, %add3A_26, %broadcast_in_dim3A_29 : vector<1024x48xi1>, vector<1024x48xf32>
    %reduce_max3A = arith.constant dense<0xFF800000> : vector<1024xf32>
    %reduce_max3A_30 = vector.multi_reduction <maximumf>, %select_n3A, %reduce_max3A [1] : vector<1024x48xf32> to vector<1024xf32>
    %broadcast_in_dim3A_31 = vector.shape_cast %reduce_max3A_30 : vector<1024xf32> to vector<1024x1xf32>
    %sub3A = vector.broadcast %broadcast_in_dim3A_31 : vector<1024x1xf32> to vector<1024x48xf32>
    %sub3A_32 = arith.subf %select_n3A, %sub3A : vector<1024x48xf32>
    %exp3A = math.exp %sub3A_32 : vector<1024x48xf32>
    %jit3A_33 = arith.constant 0.000000e+00 : f32
    %broadcast_in_dim3A_34 = vector.broadcast %jit3A_33 : f32 to vector<1024x48xf32>
    %select_n3A_35 = arith.select %lt3A_28, %exp3A, %broadcast_in_dim3A_34 : vector<1024x48xi1>, vector<1024x48xf32>
    %reduce_sum3A = arith.constant dense<0.000000e+00> : vector<1024xf32>
    %reduce_sum3A_36 = vector.multi_reduction <add>, %select_n3A_35, %reduce_sum3A [1] : vector<1024x48xf32> to vector<1024xf32>
    %broadcast_in_dim3A_37 = vector.shape_cast %reduce_sum3A_36 : vector<1024xf32> to vector<1024x1xf32>
    %log3A = math.log %broadcast_in_dim3A_37 : vector<1024x1xf32>
    %sub3A_38 = vector.broadcast %broadcast_in_dim3A_31 : vector<1024x1xf32> to vector<1024x48xf32>
    %sub3A_39 = arith.subf %select_n3A, %sub3A_38 : vector<1024x48xf32>
    %sub3A_40 = vector.broadcast %log3A : vector<1024x1xf32> to vector<1024x48xf32>
    %sub3A_41 = arith.subf %sub3A_39, %sub3A_40 : vector<1024x48xf32>
    %swap3A = arith.constant 0 : index
    %swap3A_42 = arith.constant 0 : index
    %swap3A_43 = vector.load %arg6[%swap3A, %swap3A_42] : memref<1024x48xf32, #tpu.memory_space<vmem>>, vector<1024x48xf32>
    tpu.vector_store %arg6[%swap3A, %swap3A_42], %sub3A_41 {strides = array<i32>} : memref<1024x48xf32, #tpu.memory_space<vmem>>, vector<1024x48xf32>,
    return
  }
  func.func @transform_0(%arg0: i32) -> (i32, i32) {
    %c0_i32 = arith.constant 0 : i32
    %c0_i32_0 = arith.constant 0 : i32
    return %arg0, %c0_i32 : i32, i32
  }
  func.func @transform_1(%arg0: i32) -> (i32, i32) {
    %c0_i32 = arith.constant 0 : i32
    %c0_i32_0 = arith.constant 0 : i32
    return %arg0, %c0_i32 : i32, i32
  }
  func.func @transform_2(%arg0: i32) -> (i32, i32) {
    %c0_i32 = arith.constant 0 : i32
    %c0_i32_0 = arith.constant 0 : i32
    return %arg0, %c0_i32 : i32, i32
  }
  func.func @transform_3(%arg0: i32) -> (i32, i32) {
    %c0_i32 = arith.constant 0 : i32
    %c0_i32_0 = arith.constant 0 : i32
    return %c0_i32, %arg0 : i32, i32
  }
  func.func @transform_4(%arg0: i32) -> (i32, i32) {
    %c0_i32 = arith.constant 0 : i32
    %c0_i32_0 = arith.constant 0 : i32
    %c0_i32_1 = arith.constant 0 : i32
    return %c0_i32, %c0_i32_0 : i32, i32
  }
  func.func @transform_5(%arg0: i32) -> (i32, i32) {
    %c0_i32 = arith.constant 0 : i32
    %c0_i32_0 = arith.constant 0 : i32
    return %arg0, %c0_i32 : i32, i32
  }
}

</mosaic_0001>

<sc_bundles>
// kernel: kernel.11.cloned.1.call-start
scs
__scs_entry_jumppad:
0x0: {  	(pc) =	sbr.rel $0x88, $3  }
0x1: {  	(tag) =	ssettag $0x0;
	lr =	simm.s32 $0x1  }
0x2: {  	[smem:$0x3F9D] =	sst lr;
	_ =	strace $0xD0000000  }
0x3: {  	_ = 	snop  }
0x4: {  	_ = 	snop  }
0x5: {  	_ = 	snop  }
0x6: {  	_ = 	snop  }
0x7: {  	_ = 	snop  }
__scs_overlays_trampoline_lowered:
0x8: {  	[smem:$0x3FAC] =	sst s0  }
0x9: {  	[smem:$0x3FAD] =	sst s1  }
0xa: {  	[smem:$0x3FAE] =	sst s2  }
0xb: {  	[smem:$0x3FAF] =	sst s3  }
0xc: {  	[smem:$0x3FB0] =	sst s4  }
0xd: {  	[smem:$0x3FB1] =	sst s5  }
0xe: {  	[smem:$0x3FB2] =	sst s6  }
0xf: {  	[smem:$0x3FB3] =	sst s7  }
0x10: {  	[smem:$0x3FB4] =	sst s8  }
0x11: {  	[smem:$0x3FB5] =	sst s9;
	s0 =	simm.s32 @!p0 $0x0  }
0x12: {  	s1 =	sld [smem:$0x3F9B];
	s0 =	simm.s32 @p0 $0x1  }
0x13: {  	[smem:$0x3FB6] =	sst s0;
	s0 =	simm.s32 @!p1 $0x0  }
0x14: {  	s2 =	sld [smem:$0x3F9A];
	s0 =	simm.s32 @p1 $0x1  }
0x15: {  	[smem:$0x3FB7] =	sst s0;
	s0 =	simm.s32 @!p2 $0x0  }
0x16: {  	s3 =	sld [smem:$0x3FDB];
	s0 =	simm.s32 @p2 $0x1  }
0x17: {  	s4 =	simm.s32 $0x1BF5;
	[smem:$0x3FB9] =	sst s0  }
0x18: {  	s0 =	sld [smem:$0x3F9C];
	_ =	swait.ge [sflag:s4], $0x0  }
0x19: {  	s7 =	sld [smem:$0x3F9D]  }
0x1a: {  	s8 =	sadd.s32 $0xFFFFE003, lr  }
0x1b: {  	s9 =	sadd.s32 $0xFFFFFEF7, lr;
	s5 =	simm.s32 $0xFFFFFFFF;
	p2 =	slt.u32 s8, $0xFFFFF086  }
0x1c: {  	p1 =	slt.u32 s9, $0xF7A;
	s5 =	simm.s32 @!p2 $0x0  }
0x1d: {  	s5 =	simm.s32 @p1 $0x1;
	p0 =	seq.s32 s7, s2  }
0x1e: {  	s7 =	smul.u32 @!p0 $0xF7A, s2;
	p2 =	seq.s32 @!p0 s5, $0x0  }
0x1f: {  	s9 =	smul.u32 $0xF7A, s1;
	s8 =	simm.s32 @!p0 $0x1BF5;
	p2 =	por !p2, p0  }
0x20: {  	[sflag:s8] =	ssyncset.s32 @!p0 $0xFFFFF086;
	s6 =	sadd.s32 @!p0 s3, s7;
	s7 =	simm.s32 @!p0 $0x108  }
0x21: {  	s3 =	sadd.s32 s3, s9;
	s6 =	sadd.s32 @!p0 $0x88, s6;
	s7 =	simm.s32 @p2 $0x1082  }
0x22: {  	[simem:s7], [sflag:s8] =	dma.local @!p0 [hbm:s6], $0xF7A  }
0x23: {  	s9 =	sor.u32 $0xD0000000, s2;
	s6 =	simm.s32 $0x108;
	_ =	swait.ge @!p0 [sflag:s8], $0x0  }
0x24: {  	s3 =	sadd.s32 $0x88, s3;
	s6 =	simm.s32 @!p1 $0x1082;
	[sflag:s4] =	ssyncset.s32 $0xFFFFF086  }
0x25: {  	[simem:s6], [sflag:s4] =	dma.local [hbm:s3], $0xF7A  }
0x26: {  	[smem:$0x3F9D] =	sst s1;
	(tag) =	ssettag s2;
	_ =	strace s9  }
0x27: {  	s1 =	sld [smem:$0x3FAD]  }
0x28: {  	s2 =	sld [smem:$0x3FAE]  }
0x29: {  	s4 =	sld [smem:$0x3FB0]  }
0x2a: {  	p0 =	seq.s32 s5, $0x0;
	s5 =	sld [smem:$0x3FB1]  }
0x2b: {  	s6 =	sld [smem:$0x3FB2]  }
0x2c: {  	s7 =	sld [smem:$0x3FB3]  }
0x2d: {  	s3 =	simm.s32 $0x108;
	s8 =	sld [smem:$0x3FB4]  }
0x2e: {  	s3 =	simm.s32 @!p0 $0x1082;
	s9 =	sld [smem:$0x3FB5]  }
0x2f: {  	lr =	sadd.s32 s0, s3;
	s0 =	sld [smem:$0x3FAC]  }
0x30: {  	s3 =	sld [smem:$0x3FAF]  }
0x31: {  	[smem:$0x3FB8] =	sst s10  }
0x32: {  	s10 =	sld [smem:$0x3FB6];
	_ =	sdelay $0x3  }
0x33: {  	p0 =	seq.s32 s10, $0x1;
	s10 =	sld [smem:$0x3FB8];
	_ =	sdelay $0x3  }
0x34: {  	[smem:$0x3FB8] =	sst s10  }
0x35: {  	s10 =	sld [smem:$0x3FB7];
	_ =	sdelay $0x3  }
0x36: {  	p1 =	seq.s32 s10, $0x1;
	s10 =	sld [smem:$0x3FB8];
	_ =	sdelay $0x3  }
0x37: {  	[smem:$0x3FB8] =	sst s10  }
0x38: {  	s10 =	sld [smem:$0x3FB9]  }
0x39: {  	_ = 	snop;
	(pc) =	sbr.ind lr, $3  }
0x3a: {  	_ = 	snop  }
0x3b: {  	_ = 	snop  }
0x3c: {  	p2 =	seq.s32 s10, $0x1;
	s10 =	sld [smem:$0x3FB8]  }
0x3d: {  	_ =	shalt  }
0x3e: {  	_ =	shalt  }
0x3f: {  	_ =	shalt  }
0x40: {  	_ =	shalt  }
0x41: {  	_ =	shalt  }
0x42: {  	_ =	shalt  }
0x43: {  	_ =	shalt  }
0x44: {  	_ =	shalt  }
0x45: {  	_ =	shalt  }
0x46: {  	_ =	shalt  }
0x47: {  	_ =	shalt  }
0x48: {  	_ =	shalt  }
0x49: {  	_ =	shalt  }
0x4a: {  	_ =	shalt  }
0x4b: {  	_ =	shalt  }
0x4c: {  	_ =	shalt  }
0x4d: {  	_ =	shalt  }
0x4e: {  	_ =	shalt  }
0x4f: {  	_ =	shalt  }
0x50: {  	_ =	shalt  }
0x51: {  	_ =	shalt  }
0x52: {  	_ =	shalt  }
0x53: {  	_ =	shalt  }
0x54: {  	_ =	shalt  }
0x55: {  	_ =	shalt  }
0x56: {  	_ =	shalt  }
0x57: {  	_ =	shalt  }
0x58: {  	_ =	shalt  }
0x59: {  	_ =	shalt  }
0x5a: {  	_ =	shalt  }
0x5b: {  	_ =	shalt  }
0x5c: {  	_ =	shalt  }
0x5d: {  	_ =	shalt  }
0x5e: {  	_ =	shalt  }
0x5f: {  	_ =	shalt  }
0x60: {  	_ =	shalt  }
0x61: {  	_ =	shalt  }
0x62: {  	_ =	shalt  }
0x63: {  	_ =	shalt  }
0x64: {  	_ =	shalt  }
0x65: {  	_ =	shalt  }
0x66: {  	_ =	shalt  }
0x67: {  	_ =	shalt  }
0x68: {  	_ =	shalt  }
0x69: {  	_ =	shalt  }
0x6a: {  	_ =	shalt  }
0x6b: {  	_ =	shalt  }
0x6c: {  	_ =	shalt  }
0x6d: {  	_ =	shalt  }
0x6e: {  	_ =	shalt  }
0x6f: {  	_ =	shalt  }
0x70: {  	_ =	shalt  }
0x71: {  	_ =	shalt  }
0x72: {  	_ =	shalt  }
0x73: {  	_ =	shalt  }
0x74: {  	_ =	shalt  }
0x75: {  	_ =	shalt  }
0x76: {  	_ =	shalt  }
0x77: {  	_ =	shalt  }
0x78: {  	_ =	shalt  }
0x79: {  	_ =	shalt  }
0x7a: {  	_ =	shalt  }
0x7b: {  	_ =	shalt  }
0x7c: {  	_ =	shalt  }
0x7d: {  	_ =	shalt  }
0x7e: {  	_ =	shalt  }
0x7f: {  	_ =	shalt  }
0x80: {  	_ =	shalt  }
0x81: {  	_ =	shalt  }
0x82: {  	_ =	shalt  }
0x83: {  	_ =	shalt  }
0x84: {  	_ =	shalt  }
0x85: {  	_ =	shalt  }
0x86: {  	_ =	shalt  }
0x87: {  	_ =	shalt  }
.Lfunc_end0:
.L_simem_size_0:
called_computation.1_lowered:
.L_overlay_start_0:
0x88: {  	s2 =	sld [smem:$0x3FD9]  }
0x89: {  	s3 =	sld [smem:$0x3FFE];
	_ =	sdelay $0x1  }
0x8a: {  	s1 =	srdreg.scid  }
0x8b: {  	s0 =	sand.u32 $0x1, s1  }
0x8c: {  	s17 =	sshll.u32 s0, $0xA;
	s2 =	sadd.s32 s3, s2  }
0x8d: {  	s2 =	sadd.s32 s2, s17  }
0x8e: {  	[smem:$0x3FC4] =	sst s2  }
0x8f: {  	_ = 	snop  }
0x90: {  	s2 =	sld [smem:$0x3FD0];
	(tm) =	ssettm $0x1  }
0x91: {  	s18 =	sld [smem:$0x3FFB];
	_ =	sdelay $0x3  }
0x92: {  	_ =	strace s18  }
0x93: {  	s3 =	sld [smem:$0x3FFC];
	_ =	sdelay $0x3  }
0x94: {  	_ =	strace s3  }
0x95: {  	s3 =	sld [smem:$0x3FFD];
	_ =	sdelay $0x3  }
0x96: {  	_ =	strace s3  }
0x97: {  	_ =	strace $0x8FFFFFFF  }
0x98: {  	s19 =	sld [smem:$0x3FDB];
	_ =	sdelay $0x1  }
0x99: {  	s4 =	simm.s32 $_scs_section_size  }
0x9a: {  	s5 =	simm.s32 $_size__tile_overlayer_lowered;
	s6 =	simm.s32 $_tile_overlayer_lowered  }
0x9b: {  	s22 =	simm.s32 $0x1BFF;
	s21 =	sshll.u32 s6, $0x1;
	s3 =	sadd.s32 s4, s19  }
0x9c: {  	s7 =	simm.s32 $0x0;
	s20 =	sshll.u32 s5, $0x1;
	s5 =	sadd.s32 s21, s3  }
0x9d: {  	[timem:s7], [sflag:s22] =	dma.local [hbm:s5], s20  }
0x9e: {  	_ =	swait.ge [sflag:s22], s20  }
0x9f: {  	s4 =	ssub.s32 $0x0, s20;
	[sflag:s22] =	ssyncset.done $0x0  }
0xa0: {  	[sflag:s22] =	ssyncadd.s32 s4;
	_ =	sdelay $0x1  }
0xa1: {  	s23 =	simm.s32 $0x1B8B  }
0xa2: {  	_ =	swait.ge [sflag:s23], $0x1  }
0xa3: {  	[sflag:s23] =	ssyncset.done $0x0  }
0xa4: {  	s25 =	simm.s32 $0x1B8E;
	s24 =	sld [smem:$0x3FFE];
	[sflag:s23] =	ssyncadd.s32 $0xFFFFFFFF  }
0xa5: {  	s26 =	simm.s32 $execute0_lowered;
	[smem:$0x3FD2] =	sst s25  }
0xa6: {  	s5 =	sshll.u32 s26, $0x1;
	_ =	strace $0x80000049;
	[dreg:$0x1] =	wrdreg $0xFFFFFFFF  }
0xa7: {  	s28 =	simm.s32 $_size_execute0_lowered;
	s3 =	sadd.s32 s3, s5;
	[dreg:$0x0] =	wrdreg $0x0  }
0xa8: {  	s5 =	sshll.u32 s28, $0x1;
	[dreg:$0x2] =	wrdreg s3  }
0xa9: {  	[dreg:$0x3] =	wrdreg s5  }
0xaa: {  	[dreg:$0x4] =	wrdreg $0xC0  }
0xab: {  	_ =	task [dreg:s7], $0x5FFFF  }
0xac: {  	[dreg:$0x1] =	wrdreg $0xFFFFFFFF  }
0xad: {  	[dreg:$0x0] =	wrdreg $0x60  }
0xae: {  	[dreg:$0x2] =	wrdreg s24  }
0xaf: {  	[dreg:$0x3] =	wrdreg s2  }
0xb0: {  	[dreg:$0x4] =	wrdreg $0xF8000  }
0xb1: {  	[dreg:$0x5] =	wrdreg $0x9  }
0xb2: {  	_ =	task.clear_ibuf [dreg:s7], $0x6FFFF;
	_ =	strace $0x90000049  }
0xb3: {  	s29 =	simm.s32 $0x9;
	_ =	strace $0x8000004B  }
0xb4: {  	_ =	swait.ge [sflag:s29], $0x1  }
0xb5: {  	[sflag:s29] =	ssyncadd.s32 $0xFFFFFFFF  }
0xb6: {  	_ =	strace $0x9000004B  }
0xb7: {  	_ =	sfence  }
0xb8: {  	s30 =	sld [smem:$0x0];
	_ =	sdelay $0x2  }
0xb9: {  	s31 =	sshll.u32 s1, $0xD;
	s1 =	sshrl.u32 s1, $0x2  }
0xba: {  	s3 =	sand.u32 $0x4000, s31;
	s1 =	sadd.s32 s1, s30  }
0xbb: {  	s0 =	sor.u32 s3, s0;
	s1 =	sshll.u32 s1, $0x11  }
0xbc: {  	s0 =	sor.u32 s1, s0  }
0xbd: {  	s0 =	sadd.s32 $0x8F2B, s0  }
0xbe: {  	[sflag:s0] =	ssyncadd.remote.s32 $0x1  }
0xbf: {  	_ =	sfence.sel $0xFFFF  }
0xc0: {  	[dreg:$0x0] =	wrdreg $0xFFFFFFFF;
	(pc) =	sbr.abs _section_cstart, $3  }
0xc1: {  	[dreg:$0x1] =	wrdreg $0xFFFFFFFF  }
0xc2: {  	_ =	task.clear_ibuf [dreg:s7], $0x2FFFF;
	_ =	strace $0x9FFFFFFF  }
0xc3: {  	(tm) =	ssettm $0x7FFFFFFF  }
tec
execute0_lowered:
.L_overlay_start_1:
0x0: {  	(tag) =	ssettag $0x1  }
0x1: {  	s5 =	rddreg [dreg:$0x0]  }
0x2: {  	s7 =	rddreg [dreg:$0x1]  }
0x3: {  	s2 =	rddreg [dreg:$0x2];
	s3 =	srdreg.scid  }
0x4: {  	s1 =	stileid.u32;
	s0 =	rddreg [dreg:$0x3];
	s13 =	simm.s32 $0x80  }
0x5: {  	s14 =	simm.s32 $0x5000;
	s15 =	simm.s32 $0x1;
	s16 =	simm.s32 $0x6800  }
0x6: {  	s17 =	simm.s32 $0x4;
	s18 =	simm.s32 $0x2;
	s19 =	simm.s32 $0x2780  }
0x7: {  	s20 =	simm.s32 $0x4F00;
	s21 =	simm.s32 $0x4F80;
	s6 =	sand.u32 $0x1, s3  }
0x8: {  	s8 =	smul.u32 $0x7800, s1;
	s3 =	simm.s32 $0x0;
	s4 =	sshll.u32 s6, $0x4  }
0x9: {  	s9 =	smul.u32 $0x78000, s6;
	[smem:$0x7FF] =	sst s3;
	s4 =	sor.u32 s1, s4  }
0xa: {  	s6 =	ssub.s32 $0x2, s6;
	_ =	strace $0x8000004A;
	s10 =	smul.u32 $0x500, s4  }
0xb: {  	s31 =	sshrl.u32 s6, $0x1;
	s9 =	sadd.s32 s8, s9;
	s4 =	sadd.s32 $0xB400, s5  }
0xc: {  	s12 =	ssub.s32 s6, s31;
	s9 =	sshrl.u32 s9, $0x3;
	s11 =	sadd.s32 s10, s5  }
0xd: {  	s9 =	sadd.s32 s9, s5;
	s5 =	sadd.s32 s8, s2;
	s7 =	sadd.s32 s7, s10  }
0xe: {  	s10 =	simm.s32 $0x8000;
	s6 =	sadd.s32 $0x1400, s11;
	s8 =	sadd.s32 $0x1A400, s9  }
0xf: {  	v0 =	vimm.f32 $0.0e+00;
	s9 =	smax.u32 s12, $0x1;
	s11 =	simm.s32 $0x3;
	s12 =	simm.s32 $0x2800  }
.LBB2_1:
0x10: {  	s22 =	simm.s32 $0xC0;
	s23 =	simm.s32 $0x0  }
.LBB2_2:
0x11: {  	p0 =	sne.s32 s22, $0x1DF40;
	[tilespmem:s23+$0x8020] =	vst v0;
	s24 =	smov.u32 s22;
	s22 =	sadd.s32 $0xC0, s22  }
.Ltmp0:
0x12: {  	[tilespmem:s23+$0x8000] =	vst v0;
	(pc) =	sbr.rel @p0 .LBB2_2-.Ltmp0, $2  }
0x13: {  	[tilespmem:s23+$0x8010] =	vst v0;
	_ =	sdelay $0x2  }
0x14: {  	s23 =	sshra.s32 s24, $0x2  }
0x15: {  	[tilespmem:s23+$0x8020] =	vst v0  }
0x16: {  	[tilespmem:s23+$0x8000] =	vst v0  }
0x17: {  	[tilespmem:s23+$0x8010] =	vst v0  }
0x18: {  	[spmem:s5] =	stream.linear.scatter [tilespmem:s10], [sflag:$0x3], $0x7800, $0x38;
	[tilespmem:$0x17000] =	vst v63  }
0x19: {  	_ =	swait.ge [sflag:s11], $0x7800  }
0x1a: {  	[sflag:s11] =	ssyncset.done $0x0  }
0x1b: {  	s22 =	simm.s32 $0x0;
	[sflag:s11] =	ssyncadd.s32 $0xFFFF8800  }
0x1c: {  	[tilespmem:s22], [sflag:$0x3] =	stream.linear.gather [hbm4b:s6+s22], $0x2800, $0x38;
	[tilespmem:$0x17000] =	vst v63  }
0x1d: {  	_ =	swait.ge [sflag:s11], $0x2800  }
0x1e: {  	[sflag:s11] =	ssyncset.done $0x0  }
0x1f: {  	[sflag:s11] =	ssyncadd.s32 $0xFFFFD800  }
0x20: {  	[tilespmem:s12], [sflag:$0x3] =	stream.linear.gather [hbm4b:s7+s22], $0x2800, $0x38;
	[tilespmem:$0x17000] =	vst v63  }
0x21: {  	_ =	swait.ge [sflag:s11], $0x2800  }
0x22: {  	[sflag:s11] =	ssyncset.done $0x0  }
0x23: {  	[sflag:s11] =	ssyncadd.s32 $0xFFFFD800  }
0x24: {  	[bflag:$0x0] =	sbarrier.arrive $0xFFFF  }
0x25: {  	[tilespmem:s14], [sflag:$0x1] =	stream.indirect.gather [hbm4b:s4+s13], $0x30, s22, s13, $0xb8;
	[tilespmem:$0x17000] =	vst v63  }
0x26: {  	_ =	swait.ge [sflag:s15], $0x1800  }
0x27: {  	[sflag:s15] =	ssyncset.done $0x0  }
0x28: {  	s28 =	simm.s32 $0x80;
	[sflag:s15] =	ssyncadd.s32 $0xFFFFE800  }
0x29: {  	[tilespmem:s16], [sflag:$0x2] =	stream.indirect.gather [hbm4b:s4+s13], $0x30, s28, s13, $0xb8;
	[tilespmem:$0x17000] =	vst v63  }
0x2a: {  	s29 =	simm.s32 $0x2800  }
0x2b: {  	[spmem:s2] =	stream.indirect.scatter.add.f32 [tilespmem:s14], [sflag:$0x4], $0x30, s29, s13, $0xb8;
	[tilespmem:$0x17000] =	vst v63  }
0x2c: {  	_ =	swait.ge [sflag:s17], $0x1800  }
0x2d: {  	[sflag:s17] =	ssyncset.done $0x0  }
0x2e: {  	[sflag:s17] =	ssyncadd.s32 $0xFFFFE800  }
0x2f: {  	_ =	swait.ge [sflag:s18], $0x1800  }
0x30: {  	[sflag:s18] =	ssyncset.done $0x0  }
0x31: {  	s30 =	simm.s32 $0x100;
	[sflag:s18] =	ssyncadd.s32 $0xFFFFE800  }
0x32: {  	[tilespmem:s14], [sflag:$0x1] =	stream.indirect.gather [hbm4b:s4+s13], $0x30, s30, s13, $0xb8;
	[tilespmem:$0x17000] =	vst v63  }
0x33: {  	s31 =	simm.s32 $0x2880  }
0x34: {  	[spmem:s2] =	stream.indirect.scatter.add.f32 [tilespmem:s16], [sflag:$0x3], $0x30, s31, s13, $0xb8;
	[tilespmem:$0x17000] =	vst v63  }
0x35: {  	_ =	swait.ge [sflag:s11], $0x1800  }
0x36: {  	s22 =	simm.s32 $0x400;
	[sflag:s11] =	ssyncset.done $0x0  }
.LBB2_4:
0x37: {  	p0 =	sne.s32 s22, $0x9800  }
0x38: {  	[sflag:s11] =	ssyncadd.s32 $0xFFFFE800;
	s23 =	smov.u32 s22;
	s22 =	sadd.s32 $0x400, s22  }
0x39: {  	_ = 	snop  }
0x3a: {  	_ =	swait.ge [sflag:s15], $0x1800  }
0x3b: {  	s23 =	sshra.s32 s23, $0x2;
	[sflag:s15] =	ssyncset.done $0x0  }
0x3c: {  	s24 =	sadd.s32 $0x80, s23;
	[sflag:s15] =	ssyncadd.s32 $0xFFFFE800  }
0x3d: {  	[tilespmem:s16], [sflag:$0x2] =	stream.indirect.gather [hbm4b:s4+s13], $0x30, s24, s13, $0xb8;
	[tilespmem:$0x17000] =	vst v63  }
0x3e: {  	s24 =	sadd.s32 $0x2800, s23  }
0x3f: {  	[spmem:s2] =	stream.indirect.scatter.add.f32 [tilespmem:s14], [sflag:$0x4], $0x30, s24, s13, $0xb8;
	[tilespmem:$0x17000] =	vst v63  }
0x40: {  	_ =	swait.ge [sflag:s17], $0x1800  }
0x41: {  	[sflag:s17] =	ssyncset.done $0x0  }
0x42: {  	[sflag:s17] =	ssyncadd.s32 $0xFFFFE800  }
0x43: {  	_ =	swait.ge [sflag:s18], $0x1800  }
0x44: {  	[sflag:s18] =	ssyncset.done $0x0  }
0x45: {  	s24 =	sadd.s32 $0x100, s23;
	[sflag:s18] =	ssyncadd.s32 $0xFFFFE800  }
0x46: {  	[tilespmem:s14], [sflag:$0x1] =	stream.indirect.gather [hbm4b:s4+s13], $0x30, s24, s13, $0xb8;
	[tilespmem:$0x17000] =	vst v63  }
.Ltmp1:
0x47: {  	_ = 	snop;
	(pc) =	sbr.rel @p0 .LBB2_4-.Ltmp1, $4  }
0x48: {  	s23 =	sadd.s32 $0x2880, s23  }
0x49: {  	[spmem:s2] =	stream.indirect.scatter.add.f32 [tilespmem:s16], [sflag:$0x3], $0x30, s23, s13, $0xb8;
	[tilespmem:$0x17000] =	vst v63  }
0x4a: {  	_ =	swait.ge [sflag:s11], $0x1800  }
0x4b: {  	[sflag:s11] =	ssyncset.done $0x0  }
0x4c: {  	[sflag:s11] =	ssyncadd.s32 $0xFFFFE800  }
0x4d: {  	_ =	swait.ge [sflag:s15], $0x1800  }
0x4e: {  	[sflag:s15] =	ssyncset.done $0x0  }
0x4f: {  	[sflag:s15] =	ssyncadd.s32 $0xFFFFE800  }
0x50: {  	[tilespmem:s16], [sflag:$0x2] =	stream.indirect.gather [hbm4b:s4+s13], $0x30, s19, s13, $0xb8;
	[tilespmem:$0x17000] =	vst v63  }
0x51: {  	_ = 	snop  }
0x52: {  	[spmem:s2] =	stream.indirect.scatter.add.f32 [tilespmem:s14], [sflag:$0x4], $0x30, s20, s13, $0xb8;
	[tilespmem:$0x17000] =	vst v63  }
0x53: {  	_ =	swait.ge [sflag:s17], $0x1800  }
0x54: {  	[sflag:s17] =	ssyncset.done $0x0  }
0x55: {  	[sflag:s17] =	ssyncadd.s32 $0xFFFFE800  }
0x56: {  	_ =	swait.ge [sflag:s18], $0x1800  }
0x57: {  	[sflag:s18] =	ssyncset.done $0x0  }
0x58: {  	[sflag:s18] =	ssyncadd.s32 $0xFFFFE800  }
0x59: {  	[spmem:s2] =	stream.indirect.scatter.add.f32 [tilespmem:s16], [sflag:$0x3], $0x30, s21, s13, $0xb8;
	[tilespmem:$0x17000] =	vst v63  }
0x5a: {  	_ =	swait.ge [sflag:s11], $0x1800  }
0x5b: {  	s22 =	sshll.u32 s1, $0x6;
	s3 =	sadd.s32 $0x1, s3;
	[sflag:s11] =	ssyncset.done $0x0  }
0x5c: {  	s23 =	sshrl.u32 s5, $0x3;
	p0 =	sne.s32 s3, s9;
	[sflag:s11] =	ssyncadd.s32 $0xFFFFE800  }
.Ltmp2:
0x5d: {  	s22 =	sor.u32 $0x1C03, s22;
	[bflag:$0x0] =	sbarrier.arrive $0xFFFF;
	(pc) =	sbr.rel @p0 .LBB2_1-.Ltmp2, $4  }
0x5e: {  	[hbm:s8], [sflag:s22] =	dma.local [spmem:s23], $0xF00  }
0x5f: {  	_ =	swait.ge [sflag:s11], $0xF00  }
0x60: {  	[sflag:s11] =	ssyncset.done $0x0  }
0x61: {  	[sflag:s11] =	ssyncadd.s32 $0xFFFFF100  }
0x62: {  	_ =	sfence.sel $0x180000  }
0x63: {  	[bflag:$0x0] =	sbarrier.arrive $0xFFFF  }
0x64: {  	p0 =	sne.s32 s1, $0x0;
	_ =	strace $0x9000004A  }
0x65: {  	s0 =	sadd.s32 @!p0 $0x100000, s0;
	[bflag:$0x2] =	sbarrier.arrive $0xFFFF  }
0x66: {  	[sflag:s0] =	ssyncadd.tile.s32 @!p0 $0x1;
	_ =	shalt  }
.Lfunc_end2:
_tile_overlayer_lowered:
.L_overlay_start_2:
0x67: {  	(tag) =	ssettag $0x2  }
0x68: {  	s0 =	rddreg [dreg:$0x0];
	s2 =	stileid.u32  }
0x69: {  	s1 =	rddreg [dreg:$0x1];
	p0 =	sne.s32 s2, $0x0  }
0x6a: {  	s3 =	rddreg [dreg:$0x2];
	[bflag:$0x3] =	sbarrier.arrive $0xFFFF;
	s2 =	simm.s32 @!p0 $0x1C03  }
0x6b: {  	[timem:s3], [sflag:s2] =	dma.local @!p0 [hbm:s0], s1  }
0x6c: {  	s0 =	simm.s32 @!p0 $0x3  }
0x6d: {  	_ =	swait.ge @!p0 [sflag:s0], s1  }
0x6e: {  	s1 =	ssub.s32 @!p0 $0x0, s1;
	[sflag:s0] =	ssyncset.done @!p0 $0x0  }
0x6f: {  	[sflag:s0] =	ssyncadd.s32 @!p0 s1  }
0x70: {  	[bflag:$0x3] =	sbarrier.arrive $0xFFFF  }
0x71: {  	_ =	shalt  }

// kernel: kernel.14.cloned.1.call-start
scs
__scs_entry_jumppad:
0x0: {  	(pc) =	sbr.rel $0x88, $3  }
0x1: {  	(tag) =	ssettag $0x0;
	lr =	simm.s32 $0x1  }
0x2: {  	[smem:$0x3F9D] =	sst lr;
	_ =	strace $0xD0000000  }
0x3: {  	_ = 	snop  }
0x4: {  	_ = 	snop  }
0x5: {  	_ = 	snop  }
0x6: {  	_ = 	snop  }
0x7: {  	_ = 	snop  }
__scs_overlays_trampoline_lowered:
0x8: {  	[smem:$0x3FAC] =	sst s0  }
0x9: {  	[smem:$0x3FAD] =	sst s1  }
0xa: {  	[smem:$0x3FAE] =	sst s2  }
0xb: {  	[smem:$0x3FAF] =	sst s3  }
0xc: {  	[smem:$0x3FB0] =	sst s4  }
0xd: {  	[smem:$0x3FB1] =	sst s5  }
0xe: {  	[smem:$0x3FB2] =	sst s6  }
0xf: {  	[smem:$0x3FB3] =	sst s7  }
0x10: {  	[smem:$0x3FB4] =	sst s8  }
0x11: {  	[smem:$0x3FB5] =	sst s9;
	s0 =	simm.s32 @!p0 $0x0  }
0x12: {  	s1 =	sld [smem:$0x3F9B];
	s0 =	simm.s32 @p0 $0x1  }
0x13: {  	[smem:$0x3FB6] =	sst s0;
	s0 =	simm.s32 @!p1 $0x0  }
0x14: {  	s2 =	sld [smem:$0x3F9A];
	s0 =	simm.s32 @p1 $0x1  }
0x15: {  	[smem:$0x3FB7] =	sst s0;
	s0 =	simm.s32 @!p2 $0x0  }
0x16: {  	s3 =	sld [smem:$0x3FDB];
	s0 =	simm.s32 @p2 $0x1  }
0x17: {  	s4 =	simm.s32 $0x1BF5;
	[smem:$0x3FB9] =	sst s0  }
0x18: {  	s0 =	sld [smem:$0x3F9C];
	_ =	swait.ge [sflag:s4], $0x0  }
0x19: {  	s7 =	sld [smem:$0x3F9D]  }
0x1a: {  	s8 =	sadd.s32 $0xFFFFE003, lr  }
0x1b: {  	s9 =	sadd.s32 $0xFFFFFEF7, lr;
	s5 =	simm.s32 $0xFFFFFFFF;
	p2 =	slt.u32 s8, $0xFFFFF086  }
0x1c: {  	p1 =	slt.u32 s9, $0xF7A;
	s5 =	simm.s32 @!p2 $0x0  }
0x1d: {  	s5 =	simm.s32 @p1 $0x1;
	p0 =	seq.s32 s7, s2  }
0x1e: {  	s7 =	smul.u32 @!p0 $0xF7A, s2;
	p2 =	seq.s32 @!p0 s5, $0x0  }
0x1f: {  	s9 =	smul.u32 $0xF7A, s1;
	s8 =	simm.s32 @!p0 $0x1BF5;
	p2 =	por !p2, p0  }
0x20: {  	[sflag:s8] =	ssyncset.s32 @!p0 $0xFFFFF086;
	s6 =	sadd.s32 @!p0 s3, s7;
	s7 =	simm.s32 @!p0 $0x108  }
0x21: {  	s3 =	sadd.s32 s3, s9;
	s6 =	sadd.s32 @!p0 $0x88, s6;
	s7 =	simm.s32 @p2 $0x1082  }
0x22: {  	[simem:s7], [sflag:s8] =	dma.local @!p0 [hbm:s6], $0xF7A  }
0x23: {  	s9 =	sor.u32 $0xD0000000, s2;
	s6 =	simm.s32 $0x108;
	_ =	swait.ge @!p0 [sflag:s8], $0x0  }
0x24: {  	s3 =	sadd.s32 $0x88, s3;
	s6 =	simm.s32 @!p1 $0x1082;
	[sflag:s4] =	ssyncset.s32 $0xFFFFF086  }
0x25: {  	[simem:s6], [sflag:s4] =	dma.local [hbm:s3], $0xF7A  }
0x26: {  	[smem:$0x3F9D] =	sst s1;
	(tag) =	ssettag s2;
	_ =	strace s9  }
0x27: {  	s1 =	sld [smem:$0x3FAD]  }
0x28: {  	s2 =	sld [smem:$0x3FAE]  }
0x29: {  	s4 =	sld [smem:$0x3FB0]  }
0x2a: {  	p0 =	seq.s32 s5, $0x0;
	s5 =	sld [smem:$0x3FB1]  }
0x2b: {  	s6 =	sld [smem:$0x3FB2]  }
0x2c: {  	s7 =	sld [smem:$0x3FB3]  }
0x2d: {  	s3 =	simm.s32 $0x108;
	s8 =	sld [smem:$0x3FB4]  }
0x2e: {  	s3 =	simm.s32 @!p0 $0x1082;
	s9 =	sld [smem:$0x3FB5]  }
0x2f: {  	lr =	sadd.s32 s0, s3;
	s0 =	sld [smem:$0x3FAC]  }
0x30: {  	s3 =	sld [smem:$0x3FAF]  }
0x31: {  	[smem:$0x3FB8] =	sst s10  }
0x32: {  	s10 =	sld [smem:$0x3FB6];
	_ =	sdelay $0x3  }
0x33: {  	p0 =	seq.s32 s10, $0x1;
	s10 =	sld [smem:$0x3FB8];
	_ =	sdelay $0x3  }
0x34: {  	[smem:$0x3FB8] =	sst s10  }
0x35: {  	s10 =	sld [smem:$0x3FB7];
	_ =	sdelay $0x3  }
0x36: {  	p1 =	seq.s32 s10, $0x1;
	s10 =	sld [smem:$0x3FB8];
	_ =	sdelay $0x3  }
0x37: {  	[smem:$0x3FB8] =	sst s10  }
0x38: {  	s10 =	sld [smem:$0x3FB9]  }
0x39: {  	_ = 	snop;
	(pc) =	sbr.ind lr, $3  }
0x3a: {  	_ = 	snop  }
0x3b: {  	_ = 	snop  }
0x3c: {  	p2 =	seq.s32 s10, $0x1;
	s10 =	sld [smem:$0x3FB8]  }
0x3d: {  	_ =	shalt  }
0x3e: {  	_ =	shalt  }
0x3f: {  	_ =	shalt  }
0x40: {  	_ =	shalt  }
0x41: {  	_ =	shalt  }
0x42: {  	_ =	shalt  }
0x43: {  	_ =	shalt  }
0x44: {  	_ =	shalt  }
0x45: {  	_ =	shalt  }
0x46: {  	_ =	shalt  }
0x47: {  	_ =	shalt  }
0x48: {  	_ =	shalt  }
0x49: {  	_ =	shalt  }
0x4a: {  	_ =	shalt  }
0x4b: {  	_ =	shalt  }
0x4c: {  	_ =	shalt  }
0x4d: {  	_ =	shalt  }
0x4e: {  	_ =	shalt  }
0x4f: {  	_ =	shalt  }
0x50: {  	_ =	shalt  }
0x51: {  	_ =	shalt  }
0x52: {  	_ =	shalt  }
0x53: {  	_ =	shalt  }
0x54: {  	_ =	shalt  }
0x55: {  	_ =	shalt  }
0x56: {  	_ =	shalt  }
0x57: {  	_ =	shalt  }
0x58: {  	_ =	shalt  }
0x59: {  	_ =	shalt  }
0x5a: {  	_ =	shalt  }
0x5b: {  	_ =	shalt  }
0x5c: {  	_ =	shalt  }
0x5d: {  	_ =	shalt  }
0x5e: {  	_ =	shalt  }
0x5f: {  	_ =	shalt  }
0x60: {  	_ =	shalt  }
0x61: {  	_ =	shalt  }
0x62: {  	_ =	shalt  }
0x63: {  	_ =	shalt  }
0x64: {  	_ =	shalt  }
0x65: {  	_ =	shalt  }
0x66: {  	_ =	shalt  }
0x67: {  	_ =	shalt  }
0x68: {  	_ =	shalt  }
0x69: {  	_ =	shalt  }
0x6a: {  	_ =	shalt  }
0x6b: {  	_ =	shalt  }
0x6c: {  	_ =	shalt  }
0x6d: {  	_ =	shalt  }
0x6e: {  	_ =	shalt  }
0x6f: {  	_ =	shalt  }
0x70: {  	_ =	shalt  }
0x71: {  	_ =	shalt  }
0x72: {  	_ =	shalt  }
0x73: {  	_ =	shalt  }
0x74: {  	_ =	shalt  }
0x75: {  	_ =	shalt  }
0x76: {  	_ =	shalt  }
0x77: {  	_ =	shalt  }
0x78: {  	_ =	shalt  }
0x79: {  	_ =	shalt  }
0x7a: {  	_ =	shalt  }
0x7b: {  	_ =	shalt  }
0x7c: {  	_ =	shalt  }
0x7d: {  	_ =	shalt  }
0x7e: {  	_ =	shalt  }
0x7f: {  	_ =	shalt  }
0x80: {  	_ =	shalt  }
0x81: {  	_ =	shalt  }
0x82: {  	_ =	shalt  }
0x83: {  	_ =	shalt  }
0x84: {  	_ =	shalt  }
0x85: {  	_ =	shalt  }
0x86: {  	_ =	shalt  }
0x87: {  	_ =	shalt  }
.Lfunc_end0:
.L_simem_size_0:
called_computation.2_lowered:
.L_overlay_start_0:
0x88: {  	s2 =	sld [smem:$0x3FD9]  }
0x89: {  	s3 =	sld [smem:$0x3FFE];
	_ =	sdelay $0x1  }
0x8a: {  	s1 =	srdreg.scid  }
0x8b: {  	s0 =	sand.u32 $0x1, s1  }
0x8c: {  	s17 =	sshll.u32 s0, $0xA;
	s2 =	sadd.s32 s3, s2  }
0x8d: {  	s2 =	sadd.s32 s2, s17  }
0x8e: {  	[smem:$0x3FC4] =	sst s2  }
0x8f: {  	_ = 	snop  }
0x90: {  	s2 =	sld [smem:$0x3FD0];
	(tm) =	ssettm $0x1  }
0x91: {  	s18 =	sld [smem:$0x3FFB];
	_ =	sdelay $0x3  }
0x92: {  	_ =	strace s18  }
0x93: {  	s3 =	sld [smem:$0x3FFC];
	_ =	sdelay $0x3  }
0x94: {  	_ =	strace s3  }
0x95: {  	s3 =	sld [smem:$0x3FFD];
	_ =	sdelay $0x3  }
0x96: {  	_ =	strace s3  }
0x97: {  	_ =	strace $0x8FFFFFFF  }
0x98: {  	s19 =	sld [smem:$0x3FDB];
	_ =	sdelay $0x1  }
0x99: {  	s4 =	simm.s32 $_scs_section_size  }
0x9a: {  	s5 =	simm.s32 $_size__tile_overlayer_lowered;
	s6 =	simm.s32 $_tile_overlayer_lowered  }
0x9b: {  	s22 =	simm.s32 $0x1BFF;
	s21 =	sshll.u32 s6, $0x1;
	s3 =	sadd.s32 s4, s19  }
0x9c: {  	s7 =	simm.s32 $0x0;
	s20 =	sshll.u32 s5, $0x1;
	s5 =	sadd.s32 s21, s3  }
0x9d: {  	[timem:s7], [sflag:s22] =	dma.local [hbm:s5], s20  }
0x9e: {  	_ =	swait.ge [sflag:s22], s20  }
0x9f: {  	s4 =	ssub.s32 $0x0, s20;
	[sflag:s22] =	ssyncset.done $0x0  }
0xa0: {  	[sflag:s22] =	ssyncadd.s32 s4;
	_ =	sdelay $0x1  }
0xa1: {  	s23 =	simm.s32 $0x1B8B  }
0xa2: {  	_ =	swait.ge [sflag:s23], $0x1  }
0xa3: {  	[sflag:s23] =	ssyncset.done $0x0  }
0xa4: {  	s25 =	simm.s32 $0x1B8E;
	s24 =	sld [smem:$0x3FFE];
	[sflag:s23] =	ssyncadd.s32 $0xFFFFFFFF  }
0xa5: {  	s26 =	simm.s32 $execute0_lowered;
	[smem:$0x3FD2] =	sst s25  }
0xa6: {  	s5 =	sshll.u32 s26, $0x1;
	_ =	strace $0x8000004C;
	[dreg:$0x1] =	wrdreg $0xFFFFFFFF  }
0xa7: {  	s28 =	simm.s32 $_size_execute0_lowered;
	s3 =	sadd.s32 s3, s5;
	[dreg:$0x0] =	wrdreg $0x0  }
0xa8: {  	s5 =	sshll.u32 s28, $0x1;
	[dreg:$0x2] =	wrdreg s3  }
0xa9: {  	[dreg:$0x3] =	wrdreg s5  }
0xaa: {  	[dreg:$0x4] =	wrdreg $0xC0  }
0xab: {  	_ =	task [dreg:s7], $0x5FFFF  }
0xac: {  	[dreg:$0x1] =	wrdreg $0xFFFFFFFF  }
0xad: {  	[dreg:$0x0] =	wrdreg $0x60  }
0xae: {  	[dreg:$0x2] =	wrdreg s24  }
0xaf: {  	[dreg:$0x3] =	wrdreg s2  }
0xb0: {  	[dreg:$0x4] =	wrdreg $0xF8000  }
0xb1: {  	[dreg:$0x5] =	wrdreg $0x9  }
0xb2: {  	_ =	task.clear_ibuf [dreg:s7], $0x6FFFF;
	_ =	strace $0x9000004C  }
0xb3: {  	s29 =	simm.s32 $0x9;
	_ =	strace $0x8000004E  }
0xb4: {  	_ =	swait.ge [sflag:s29], $0x1  }
0xb5: {  	[sflag:s29] =	ssyncadd.s32 $0xFFFFFFFF  }
0xb6: {  	_ =	strace $0x9000004E  }
0xb7: {  	_ =	sfence  }
0xb8: {  	s30 =	sld [smem:$0x0];
	_ =	sdelay $0x2  }
0xb9: {  	s31 =	sshll.u32 s1, $0xD;
	s1 =	sshrl.u32 s1, $0x2  }
0xba: {  	s3 =	sand.u32 $0x4000, s31;
	s1 =	sadd.s32 s1, s30  }
0xbb: {  	s0 =	sor.u32 s3, s0;
	s1 =	sshll.u32 s1, $0x11  }
0xbc: {  	s0 =	sor.u32 s1, s0  }
0xbd: {  	s0 =	sadd.s32 $0x8F2B, s0  }
0xbe: {  	[sflag:s0] =	ssyncadd.remote.s32 $0x1  }
0xbf: {  	_ =	sfence.sel $0xFFFF  }
0xc0: {  	[dreg:$0x0] =	wrdreg $0xFFFFFFFF;
	(pc) =	sbr.abs _section_cstart, $3  }
0xc1: {  	[dreg:$0x1] =	wrdreg $0xFFFFFFFF  }
0xc2: {  	_ =	task.clear_ibuf [dreg:s7], $0x2FFFF;
	_ =	strace $0x9FFFFFFF  }
0xc3: {  	(tm) =	ssettm $0x7FFFFFFF  }
tec
execute0_lowered:
.L_overlay_start_1:
0x0: {  	(tag) =	ssettag $0x1  }
0x1: {  	s5 =	rddreg [dreg:$0x0]  }
0x2: {  	s7 =	rddreg [dreg:$0x1]  }
0x3: {  	s2 =	rddreg [dreg:$0x2];
	s3 =	srdreg.scid  }
0x4: {  	s1 =	stileid.u32;
	s0 =	rddreg [dreg:$0x3];
	s13 =	simm.s32 $0x80  }
0x5: {  	s14 =	simm.s32 $0x5000;
	s15 =	simm.s32 $0x1;
	s16 =	simm.s32 $0x6800  }
0x6: {  	s17 =	simm.s32 $0x4;
	s18 =	simm.s32 $0x2;
	s19 =	simm.s32 $0x2780  }
0x7: {  	s20 =	simm.s32 $0x4F00;
	s21 =	simm.s32 $0x4F80;
	s6 =	sand.u32 $0x1, s3  }
0x8: {  	s8 =	smul.u32 $0x7800, s1;
	s3 =	simm.s32 $0x0;
	s4 =	sshll.u32 s6, $0x4  }
0x9: {  	s9 =	smul.u32 $0x78000, s6;
	[smem:$0x7FF] =	sst s3;
	s4 =	sor.u32 s1, s4  }
0xa: {  	s6 =	ssub.s32 $0x2, s6;
	_ =	strace $0x8000004D;
	s10 =	smul.u32 $0x500, s4  }
0xb: {  	s31 =	sshrl.u32 s6, $0x1;
	s9 =	sadd.s32 s8, s9;
	s4 =	sadd.s32 $0xB400, s5  }
0xc: {  	s12 =	ssub.s32 s6, s31;
	s9 =	sshrl.u32 s9, $0x3;
	s11 =	sadd.s32 s10, s5  }
0xd: {  	s9 =	sadd.s32 s9, s5;
	s5 =	sadd.s32 s8, s2;
	s7 =	sadd.s32 s7, s10  }
0xe: {  	s10 =	simm.s32 $0x8000;
	s6 =	sadd.s32 $0x1400, s11;
	s8 =	sadd.s32 $0x1A400, s9  }
0xf: {  	v0 =	vimm.f32 $0.0e+00;
	s9 =	smax.u32 s12, $0x1;
	s11 =	simm.s32 $0x3;
	s12 =	simm.s32 $0x2800  }
.LBB2_1:
0x10: {  	s22 =	simm.s32 $0xC0;
	s23 =	simm.s32 $0x0  }
.LBB2_2:
0x11: {  	p0 =	sne.s32 s22, $0x1DF40;
	[tilespmem:s23+$0x8020] =	vst v0;
	s24 =	smov.u32 s22;
	s22 =	sadd.s32 $0xC0, s22  }
.Ltmp0:
0x12: {  	[tilespmem:s23+$0x8000] =	vst v0;
	(pc) =	sbr.rel @p0 .LBB2_2-.Ltmp0, $2  }
0x13: {  	[tilespmem:s23+$0x8010] =	vst v0;
	_ =	sdelay $0x2  }
0x14: {  	s23 =	sshra.s32 s24, $0x2  }
0x15: {  	[tilespmem:s23+$0x8020] =	vst v0  }
0x16: {  	[tilespmem:s23+$0x8000] =	vst v0  }
0x17: {  	[tilespmem:s23+$0x8010] =	vst v0  }
0x18: {  	[spmem:s5] =	stream.linear.scatter [tilespmem:s10], [sflag:$0x3], $0x7800, $0x38;
	[tilespmem:$0x17000] =	vst v63  }
0x19: {  	_ =	swait.ge [sflag:s11], $0x7800  }
0x1a: {  	[sflag:s11] =	ssyncset.done $0x0  }
0x1b: {  	s22 =	simm.s32 $0x0;
	[sflag:s11] =	ssyncadd.s32 $0xFFFF8800  }
0x1c: {  	[tilespmem:s22], [sflag:$0x3] =	stream.linear.gather [hbm4b:s6+s22], $0x2800, $0x38;
	[tilespmem:$0x17000] =	vst v63  }
0x1d: {  	_ =	swait.ge [sflag:s11], $0x2800  }
0x1e: {  	[sflag:s11] =	ssyncset.done $0x0  }
0x1f: {  	[sflag:s11] =	ssyncadd.s32 $0xFFFFD800  }
0x20: {  	[tilespmem:s12], [sflag:$0x3] =	stream.linear.gather [hbm4b:s7+s22], $0x2800, $0x38;
	[tilespmem:$0x17000] =	vst v63  }
0x21: {  	_ =	swait.ge [sflag:s11], $0x2800  }
0x22: {  	[sflag:s11] =	ssyncset.done $0x0  }
0x23: {  	[sflag:s11] =	ssyncadd.s32 $0xFFFFD800  }
0x24: {  	[bflag:$0x0] =	sbarrier.arrive $0xFFFF  }
0x25: {  	[tilespmem:s14], [sflag:$0x1] =	stream.indirect.gather [hbm4b:s4+s13], $0x30, s22, s13, $0xb8;
	[tilespmem:$0x17000] =	vst v63  }
0x26: {  	_ =	swait.ge [sflag:s15], $0x1800  }
0x27: {  	[sflag:s15] =	ssyncset.done $0x0  }
0x28: {  	s28 =	simm.s32 $0x80;
	[sflag:s15] =	ssyncadd.s32 $0xFFFFE800  }
0x29: {  	[tilespmem:s16], [sflag:$0x2] =	stream.indirect.gather [hbm4b:s4+s13], $0x30, s28, s13, $0xb8;
	[tilespmem:$0x17000] =	vst v63  }
0x2a: {  	s29 =	simm.s32 $0x2800  }
0x2b: {  	[spmem:s2] =	stream.indirect.scatter.add.f32 [tilespmem:s14], [sflag:$0x4], $0x30, s29, s13, $0xb8;
	[tilespmem:$0x17000] =	vst v63  }
0x2c: {  	_ =	swait.ge [sflag:s17], $0x1800  }
0x2d: {  	[sflag:s17] =	ssyncset.done $0x0  }
0x2e: {  	[sflag:s17] =	ssyncadd.s32 $0xFFFFE800  }
0x2f: {  	_ =	swait.ge [sflag:s18], $0x1800  }
0x30: {  	[sflag:s18] =	ssyncset.done $0x0  }
0x31: {  	s30 =	simm.s32 $0x100;
	[sflag:s18] =	ssyncadd.s32 $0xFFFFE800  }
0x32: {  	[tilespmem:s14], [sflag:$0x1] =	stream.indirect.gather [hbm4b:s4+s13], $0x30, s30, s13, $0xb8;
	[tilespmem:$0x17000] =	vst v63  }
0x33: {  	s31 =	simm.s32 $0x2880  }
0x34: {  	[spmem:s2] =	stream.indirect.scatter.add.f32 [tilespmem:s16], [sflag:$0x3], $0x30, s31, s13, $0xb8;
	[tilespmem:$0x17000] =	vst v63  }
0x35: {  	_ =	swait.ge [sflag:s11], $0x1800  }
0x36: {  	s22 =	simm.s32 $0x400;
	[sflag:s11] =	ssyncset.done $0x0  }
.LBB2_4:
0x37: {  	p0 =	sne.s32 s22, $0x9800  }
0x38: {  	[sflag:s11] =	ssyncadd.s32 $0xFFFFE800;
	s23 =	smov.u32 s22;
	s22 =	sadd.s32 $0x400, s22  }
0x39: {  	_ = 	snop  }
0x3a: {  	_ =	swait.ge [sflag:s15], $0x1800  }
0x3b: {  	s23 =	sshra.s32 s23, $0x2;
	[sflag:s15] =	ssyncset.done $0x0  }
0x3c: {  	s24 =	sadd.s32 $0x80, s23;
	[sflag:s15] =	ssyncadd.s32 $0xFFFFE800  }
0x3d: {  	[tilespmem:s16], [sflag:$0x2] =	stream.indirect.gather [hbm4b:s4+s13], $0x30, s24, s13, $0xb8;
	[tilespmem:$0x17000] =	vst v63  }
0x3e: {  	s24 =	sadd.s32 $0x2800, s23  }
0x3f: {  	[spmem:s2] =	stream.indirect.scatter.add.f32 [tilespmem:s14], [sflag:$0x4], $0x30, s24, s13, $0xb8;
	[tilespmem:$0x17000] =	vst v63  }
0x40: {  	_ =	swait.ge [sflag:s17], $0x1800  }
0x41: {  	[sflag:s17] =	ssyncset.done $0x0  }
0x42: {  	[sflag:s17] =	ssyncadd.s32 $0xFFFFE800  }
0x43: {  	_ =	swait.ge [sflag:s18], $0x1800  }
0x44: {  	[sflag:s18] =	ssyncset.done $0x0  }
0x45: {  	s24 =	sadd.s32 $0x100, s23;
	[sflag:s18] =	ssyncadd.s32 $0xFFFFE800  }
0x46: {  	[tilespmem:s14], [sflag:$0x1] =	stream.indirect.gather [hbm4b:s4+s13], $0x30, s24, s13, $0xb8;
	[tilespmem:$0x17000] =	vst v63  }
.Ltmp1:
0x47: {  	_ = 	snop;
	(pc) =	sbr.rel @p0 .LBB2_4-.Ltmp1, $4  }
0x48: {  	s23 =	sadd.s32 $0x2880, s23  }
0x49: {  	[spmem:s2] =	stream.indirect.scatter.add.f32 [tilespmem:s16], [sflag:$0x3], $0x30, s23, s13, $0xb8;
	[tilespmem:$0x17000] =	vst v63  }
0x4a: {  	_ =	swait.ge [sflag:s11], $0x1800  }
0x4b: {  	[sflag:s11] =	ssyncset.done $0x0  }
0x4c: {  	[sflag:s11] =	ssyncadd.s32 $0xFFFFE800  }
0x4d: {  	_ =	swait.ge [sflag:s15], $0x1800  }
0x4e: {  	[sflag:s15] =	ssyncset.done $0x0  }
0x4f: {  	[sflag:s15] =	ssyncadd.s32 $0xFFFFE800  }
0x50: {  	[tilespmem:s16], [sflag:$0x2] =	stream.indirect.gather [hbm4b:s4+s13], $0x30, s19, s13, $0xb8;
	[tilespmem:$0x17000] =	vst v63  }
0x51: {  	_ = 	snop  }
0x52: {  	[spmem:s2] =	stream.indirect.scatter.add.f32 [tilespmem:s14], [sflag:$0x4], $0x30, s20, s13, $0xb8;
	[tilespmem:$0x17000] =	vst v63  }
0x53: {  	_ =	swait.ge [sflag:s17], $0x1800  }
0x54: {  	[sflag:s17] =	ssyncset.done $0x0  }
0x55: {  	[sflag:s17] =	ssyncadd.s32 $0xFFFFE800  }
0x56: {  	_ =	swait.ge [sflag:s18], $0x1800  }
0x57: {  	[sflag:s18] =	ssyncset.done $0x0  }
0x58: {  	[sflag:s18] =	ssyncadd.s32 $0xFFFFE800  }
0x59: {  	[spmem:s2] =	stream.indirect.scatter.add.f32 [tilespmem:s16], [sflag:$0x3], $0x30, s21, s13, $0xb8;
	[tilespmem:$0x17000] =	vst v63  }
0x5a: {  	_ =	swait.ge [sflag:s11], $0x1800  }
0x5b: {  	s22 =	sshll.u32 s1, $0x6;
	s3 =	sadd.s32 $0x1, s3;
	[sflag:s11] =	ssyncset.done $0x0  }
0x5c: {  	s23 =	sshrl.u32 s5, $0x3;
	p0 =	sne.s32 s3, s9;
	[sflag:s11] =	ssyncadd.s32 $0xFFFFE800  }
.Ltmp2:
0x5d: {  	s22 =	sor.u32 $0x1C03, s22;
	[bflag:$0x0] =	sbarrier.arrive $0xFFFF;
	(pc) =	sbr.rel @p0 .LBB2_1-.Ltmp2, $4  }
0x5e: {  	[hbm:s8], [sflag:s22] =	dma.local [spmem:s23], $0xF00  }
0x5f: {  	_ =	swait.ge [sflag:s11], $0xF00  }
0x60: {  	[sflag:s11] =	ssyncset.done $0x0  }
0x61: {  	[sflag:s11] =	ssyncadd.s32 $0xFFFFF100  }
0x62: {  	_ =	sfence.sel $0x180000  }
0x63: {  	[bflag:$0x0] =	sbarrier.arrive $0xFFFF  }
0x64: {  	p0 =	sne.s32 s1, $0x0;
	_ =	strace $0x9000004D  }
0x65: {  	s0 =	sadd.s32 @!p0 $0x100000, s0;
	[bflag:$0x2] =	sbarrier.arrive $0xFFFF  }
0x66: {  	[sflag:s0] =	ssyncadd.tile.s32 @!p0 $0x1;
	_ =	shalt  }
.Lfunc_end2:
_tile_overlayer_lowered:
.L_overlay_start_2:
0x67: {  	(tag) =	ssettag $0x2  }
0x68: {  	s0 =	rddreg [dreg:$0x0];
	s2 =	stileid.u32  }
0x69: {  	s1 =	rddreg [dreg:$0x1];
	p0 =	sne.s32 s2, $0x0  }
0x6a: {  	s3 =	rddreg [dreg:$0x2];
	[bflag:$0x3] =	sbarrier.arrive $0xFFFF;
	s2 =	simm.s32 @!p0 $0x1C03  }
0x6b: {  	[timem:s3], [sflag:s2] =	dma.local @!p0 [hbm:s0], s1  }
0x6c: {  	s0 =	simm.s32 @!p0 $0x3  }
0x6d: {  	_ =	swait.ge @!p0 [sflag:s0], s1  }
0x6e: {  	s1 =	ssub.s32 @!p0 $0x0, s1;
	[sflag:s0] =	ssyncset.done @!p0 $0x0  }
0x6f: {  	[sflag:s0] =	ssyncadd.s32 @!p0 s1  }
0x70: {  	[bflag:$0x3] =	sbarrier.arrive $0xFFFF  }
0x71: {  	_ =	shalt  }

// kernel: kernel.8.cloned.1.call-start
scs
__scs_entry_jumppad:
0x0: {  	(pc) =	sbr.rel $0x88, $3  }
0x1: {  	(tag) =	ssettag $0x0;
	lr =	simm.s32 $0x1  }
0x2: {  	[smem:$0x3F9D] =	sst lr;
	_ =	strace $0xD0000000  }
0x3: {  	_ = 	snop  }
0x4: {  	_ = 	snop  }
0x5: {  	_ = 	snop  }
0x6: {  	_ = 	snop  }
0x7: {  	_ = 	snop  }
__scs_overlays_trampoline_lowered:
0x8: {  	[smem:$0x3FAC] =	sst s0  }
0x9: {  	[smem:$0x3FAD] =	sst s1  }
0xa: {  	[smem:$0x3FAE] =	sst s2  }
0xb: {  	[smem:$0x3FAF] =	sst s3  }
0xc: {  	[smem:$0x3FB0] =	sst s4  }
0xd: {  	[smem:$0x3FB1] =	sst s5  }
0xe: {  	[smem:$0x3FB2] =	sst s6  }
0xf: {  	[smem:$0x3FB3] =	sst s7  }
0x10: {  	[smem:$0x3FB4] =	sst s8  }
0x11: {  	[smem:$0x3FB5] =	sst s9;
	s0 =	simm.s32 @!p0 $0x0  }
0x12: {  	s1 =	sld [smem:$0x3F9B];
	s0 =	simm.s32 @p0 $0x1  }
0x13: {  	[smem:$0x3FB6] =	sst s0;
	s0 =	simm.s32 @!p1 $0x0  }
0x14: {  	s2 =	sld [smem:$0x3F9A];
	s0 =	simm.s32 @p1 $0x1  }
0x15: {  	[smem:$0x3FB7] =	sst s0;
	s0 =	simm.s32 @!p2 $0x0  }
0x16: {  	s3 =	sld [smem:$0x3FDB];
	s0 =	simm.s32 @p2 $0x1  }
0x17: {  	s4 =	simm.s32 $0x1BF5;
	[smem:$0x3FB9] =	sst s0  }
0x18: {  	s0 =	sld [smem:$0x3F9C];
	_ =	swait.ge [sflag:s4], $0x0  }
0x19: {  	s7 =	sld [smem:$0x3F9D]  }
0x1a: {  	s8 =	sadd.s32 $0xFFFFE003, lr  }
0x1b: {  	s9 =	sadd.s32 $0xFFFFFEF7, lr;
	s5 =	simm.s32 $0xFFFFFFFF;
	p2 =	slt.u32 s8, $0xFFFFF086  }
0x1c: {  	p1 =	slt.u32 s9, $0xF7A;
	s5 =	simm.s32 @!p2 $0x0  }
0x1d: {  	s5 =	simm.s32 @p1 $0x1;
	p0 =	seq.s32 s7, s2  }
0x1e: {  	s7 =	smul.u32 @!p0 $0xF7A, s2;
	p2 =	seq.s32 @!p0 s5, $0x0  }
0x1f: {  	s9 =	smul.u32 $0xF7A, s1;
	s8 =	simm.s32 @!p0 $0x1BF5;
	p2 =	por !p2, p0  }
0x20: {  	[sflag:s8] =	ssyncset.s32 @!p0 $0xFFFFF086;
	s6 =	sadd.s32 @!p0 s3, s7;
	s7 =	simm.s32 @!p0 $0x108  }
0x21: {  	s3 =	sadd.s32 s3, s9;
	s6 =	sadd.s32 @!p0 $0x88, s6;
	s7 =	simm.s32 @p2 $0x1082  }
0x22: {  	[simem:s7], [sflag:s8] =	dma.local @!p0 [hbm:s6], $0xF7A  }
0x23: {  	s9 =	sor.u32 $0xD0000000, s2;
	s6 =	simm.s32 $0x108;
	_ =	swait.ge @!p0 [sflag:s8], $0x0  }
0x24: {  	s3 =	sadd.s32 $0x88, s3;
	s6 =	simm.s32 @!p1 $0x1082;
	[sflag:s4] =	ssyncset.s32 $0xFFFFF086  }
0x25: {  	[simem:s6], [sflag:s4] =	dma.local [hbm:s3], $0xF7A  }
0x26: {  	[smem:$0x3F9D] =	sst s1;
	(tag) =	ssettag s2;
	_ =	strace s9  }
0x27: {  	s1 =	sld [smem:$0x3FAD]  }
0x28: {  	s2 =	sld [smem:$0x3FAE]  }
0x29: {  	s4 =	sld [smem:$0x3FB0]  }
0x2a: {  	p0 =	seq.s32 s5, $0x0;
	s5 =	sld [smem:$0x3FB1]  }
0x2b: {  	s6 =	sld [smem:$0x3FB2]  }
0x2c: {  	s7 =	sld [smem:$0x3FB3]  }
0x2d: {  	s3 =	simm.s32 $0x108;
	s8 =	sld [smem:$0x3FB4]  }
0x2e: {  	s3 =	simm.s32 @!p0 $0x1082;
	s9 =	sld [smem:$0x3FB5]  }
0x2f: {  	lr =	sadd.s32 s0, s3;
	s0 =	sld [smem:$0x3FAC]  }
0x30: {  	s3 =	sld [smem:$0x3FAF]  }
0x31: {  	[smem:$0x3FB8] =	sst s10  }
0x32: {  	s10 =	sld [smem:$0x3FB6];
	_ =	sdelay $0x3  }
0x33: {  	p0 =	seq.s32 s10, $0x1;
	s10 =	sld [smem:$0x3FB8];
	_ =	sdelay $0x3  }
0x34: {  	[smem:$0x3FB8] =	sst s10  }
0x35: {  	s10 =	sld [smem:$0x3FB7];
	_ =	sdelay $0x3  }
0x36: {  	p1 =	seq.s32 s10, $0x1;
	s10 =	sld [smem:$0x3FB8];
	_ =	sdelay $0x3  }
0x37: {  	[smem:$0x3FB8] =	sst s10  }
0x38: {  	s10 =	sld [smem:$0x3FB9]  }
0x39: {  	_ = 	snop;
	(pc) =	sbr.ind lr, $3  }
0x3a: {  	_ = 	snop  }
0x3b: {  	_ = 	snop  }
0x3c: {  	p2 =	seq.s32 s10, $0x1;
	s10 =	sld [smem:$0x3FB8]  }
0x3d: {  	_ =	shalt  }
0x3e: {  	_ =	shalt  }
0x3f: {  	_ =	shalt  }
0x40: {  	_ =	shalt  }
0x41: {  	_ =	shalt  }
0x42: {  	_ =	shalt  }
0x43: {  	_ =	shalt  }
0x44: {  	_ =	shalt  }
0x45: {  	_ =	shalt  }
0x46: {  	_ =	shalt  }
0x47: {  	_ =	shalt  }
0x48: {  	_ =	shalt  }
0x49: {  	_ =	shalt  }
0x4a: {  	_ =	shalt  }
0x4b: {  	_ =	shalt  }
0x4c: {  	_ =	shalt  }
0x4d: {  	_ =	shalt  }
0x4e: {  	_ =	shalt  }
0x4f: {  	_ =	shalt  }
0x50: {  	_ =	shalt  }
0x51: {  	_ =	shalt  }
0x52: {  	_ =	shalt  }
0x53: {  	_ =	shalt  }
0x54: {  	_ =	shalt  }
0x55: {  	_ =	shalt  }
0x56: {  	_ =	shalt  }
0x57: {  	_ =	shalt  }
0x58: {  	_ =	shalt  }
0x59: {  	_ =	shalt  }
0x5a: {  	_ =	shalt  }
0x5b: {  	_ =	shalt  }
0x5c: {  	_ =	shalt  }
0x5d: {  	_ =	shalt  }
0x5e: {  	_ =	shalt  }
0x5f: {  	_ =	shalt  }
0x60: {  	_ =	shalt  }
0x61: {  	_ =	shalt  }
0x62: {  	_ =	shalt  }
0x63: {  	_ =	shalt  }
0x64: {  	_ =	shalt  }
0x65: {  	_ =	shalt  }
0x66: {  	_ =	shalt  }
0x67: {  	_ =	shalt  }
0x68: {  	_ =	shalt  }
0x69: {  	_ =	shalt  }
0x6a: {  	_ =	shalt  }
0x6b: {  	_ =	shalt  }
0x6c: {  	_ =	shalt  }
0x6d: {  	_ =	shalt  }
0x6e: {  	_ =	shalt  }
0x6f: {  	_ =	shalt  }
0x70: {  	_ =	shalt  }
0x71: {  	_ =	shalt  }
0x72: {  	_ =	shalt  }
0x73: {  	_ =	shalt  }
0x74: {  	_ =	shalt  }
0x75: {  	_ =	shalt  }
0x76: {  	_ =	shalt  }
0x77: {  	_ =	shalt  }
0x78: {  	_ =	shalt  }
0x79: {  	_ =	shalt  }
0x7a: {  	_ =	shalt  }
0x7b: {  	_ =	shalt  }
0x7c: {  	_ =	shalt  }
0x7d: {  	_ =	shalt  }
0x7e: {  	_ =	shalt  }
0x7f: {  	_ =	shalt  }
0x80: {  	_ =	shalt  }
0x81: {  	_ =	shalt  }
0x82: {  	_ =	shalt  }
0x83: {  	_ =	shalt  }
0x84: {  	_ =	shalt  }
0x85: {  	_ =	shalt  }
0x86: {  	_ =	shalt  }
0x87: {  	_ =	shalt  }
.Lfunc_end0:
.L_simem_size_0:
called_computation_lowered:
.L_overlay_start_0:
0x88: {  	s2 =	sld [smem:$0x3FD9]  }
0x89: {  	s3 =	sld [smem:$0x3FFE];
	_ =	sdelay $0x1  }
0x8a: {  	s1 =	srdreg.scid  }
0x8b: {  	s0 =	sand.u32 $0x1, s1  }
0x8c: {  	s17 =	sshll.u32 s0, $0xA;
	s2 =	sadd.s32 s3, s2  }
0x8d: {  	s2 =	sadd.s32 s2, s17  }
0x8e: {  	[smem:$0x3FC4] =	sst s2  }
0x8f: {  	_ = 	snop  }
0x90: {  	s2 =	sld [smem:$0x3FD0];
	(tm) =	ssettm $0x1  }
0x91: {  	s18 =	sld [smem:$0x3FFB];
	_ =	sdelay $0x3  }
0x92: {  	_ =	strace s18  }
0x93: {  	s3 =	sld [smem:$0x3FFC];
	_ =	sdelay $0x3  }
0x94: {  	_ =	strace s3  }
0x95: {  	s3 =	sld [smem:$0x3FFD];
	_ =	sdelay $0x3  }
0x96: {  	_ =	strace s3  }
0x97: {  	_ =	strace $0x8FFFFFFF  }
0x98: {  	s19 =	sld [smem:$0x3FDB];
	_ =	sdelay $0x1  }
0x99: {  	s4 =	simm.s32 $_scs_section_size  }
0x9a: {  	s5 =	simm.s32 $_size__tile_overlayer_lowered;
	s6 =	simm.s32 $_tile_overlayer_lowered  }
0x9b: {  	s22 =	simm.s32 $0x1BFF;
	s21 =	sshll.u32 s6, $0x1;
	s3 =	sadd.s32 s4, s19  }
0x9c: {  	s7 =	simm.s32 $0x0;
	s20 =	sshll.u32 s5, $0x1;
	s5 =	sadd.s32 s21, s3  }
0x9d: {  	[timem:s7], [sflag:s22] =	dma.local [hbm:s5], s20  }
0x9e: {  	_ =	swait.ge [sflag:s22], s20  }
0x9f: {  	s4 =	ssub.s32 $0x0, s20;
	[sflag:s22] =	ssyncset.done $0x0  }
0xa0: {  	[sflag:s22] =	ssyncadd.s32 s4;
	_ =	sdelay $0x1  }
0xa1: {  	s23 =	simm.s32 $0x1B8B  }
0xa2: {  	_ =	swait.ge [sflag:s23], $0x1  }
0xa3: {  	[sflag:s23] =	ssyncset.done $0x0  }
0xa4: {  	s25 =	simm.s32 $0x1B8E;
	s24 =	sld [smem:$0x3FFE];
	[sflag:s23] =	ssyncadd.s32 $0xFFFFFFFF  }
0xa5: {  	s26 =	simm.s32 $execute0_lowered;
	[smem:$0x3FD2] =	sst s25  }
0xa6: {  	s5 =	sshll.u32 s26, $0x1;
	_ =	strace $0x80000046;
	[dreg:$0x1] =	wrdreg $0xFFFFFFFF  }
0xa7: {  	s28 =	simm.s32 $_size_execute0_lowered;
	s3 =	sadd.s32 s3, s5;
	[dreg:$0x0] =	wrdreg $0x0  }
0xa8: {  	s5 =	sshll.u32 s28, $0x1;
	[dreg:$0x2] =	wrdreg s3  }
0xa9: {  	[dreg:$0x3] =	wrdreg s5  }
0xaa: {  	[dreg:$0x4] =	wrdreg $0xC0  }
0xab: {  	_ =	task [dreg:s7], $0x5FFFF  }
0xac: {  	[dreg:$0x1] =	wrdreg $0xFFFFFFFF  }
0xad: {  	[dreg:$0x0] =	wrdreg $0x60  }
0xae: {  	[dreg:$0x2] =	wrdreg s2  }
0xaf: {  	[dreg:$0x3] =	wrdreg s24  }
0xb0: {  	[dreg:$0x4] =	wrdreg $0x2B000  }
0xb1: {  	[dreg:$0x5] =	wrdreg $0x9  }
0xb2: {  	_ =	task.clear_ibuf [dreg:s7], $0x6FFFF;
	_ =	strace $0x90000046  }
0xb3: {  	s29 =	simm.s32 $0x9;
	_ =	strace $0x80000048  }
0xb4: {  	_ =	swait.ge [sflag:s29], $0x1  }
0xb5: {  	[sflag:s29] =	ssyncadd.s32 $0xFFFFFFFF  }
0xb6: {  	_ =	strace $0x90000048  }
0xb7: {  	_ =	sfence  }
0xb8: {  	s30 =	sld [smem:$0x0];
	_ =	sdelay $0x2  }
0xb9: {  	s31 =	sshll.u32 s1, $0xD;
	s1 =	sshrl.u32 s1, $0x2  }
0xba: {  	s3 =	sand.u32 $0x4000, s31;
	s1 =	sadd.s32 s1, s30  }
0xbb: {  	s0 =	sor.u32 s3, s0;
	s1 =	sshll.u32 s1, $0x11  }
0xbc: {  	s0 =	sor.u32 s1, s0  }
0xbd: {  	s0 =	sadd.s32 $0x8F2B, s0  }
0xbe: {  	[sflag:s0] =	ssyncadd.remote.s32 $0x1  }
0xbf: {  	_ =	sfence.sel $0xFFFF  }
0xc0: {  	[dreg:$0x0] =	wrdreg $0xFFFFFFFF;
	(pc) =	sbr.abs _section_cstart, $3  }
0xc1: {  	[dreg:$0x1] =	wrdreg $0xFFFFFFFF  }
0xc2: {  	_ =	task.clear_ibuf [dreg:s7], $0x2FFFF;
	_ =	strace $0x9FFFFFFF  }
0xc3: {  	(tm) =	ssettm $0x7FFFFFFF  }
tec
execute0_lowered:
.L_overlay_start_1:
0x0: {  	(tag) =	ssettag $0x1  }
0x1: {  	s5 =	rddreg [dreg:$0x0]  }
0x2: {  	s4 =	rddreg [dreg:$0x1];
	s1 =	srdreg.scid  }
0x3: {  	s0 =	stileid.u32;
	s2 =	rddreg [dreg:$0x2];
	s3 =	simm.s32 $0x0  }
0x4: {  	s11 =	simm.s32 $0x2800;
	s6 =	sand.u32 $0x1, s1;
	s1 =	rddreg [dreg:$0x3]  }
0x5: {  	s14 =	simm.s32 $0x0;
	s7 =	smul.u32 $0x280, s0;
	[smem:$0x7FF] =	sst s3  }
0x6: {  	s12 =	sshll.u32 s0, $0x6;
	s8 =	smul.u32 $0x2800, s6;
	s9 =	sshll.u32 s6, $0x4  }
0x7: {  	s6 =	ssub.s32 $0x2, s6;
	_ =	strace $0x80000047;
	s9 =	sor.u32 s0, s9  }
0x8: {  	s10 =	sshrl.u32 s6, $0x1;
	s8 =	sadd.s32 s7, s8;
	s9 =	smul.u32 $0x500, s9  }
0x9: {  	s12 =	sor.u32 $0x1C01, s12;
	s10 =	ssub.s32 s6, s10;
	s8 =	sshrl.u32 s8, $0x3  }
0xa: {  	s8 =	sadd.s32 s8, s4;
	s4 =	sadd.s32 s7, s2;
	s5 =	sadd.s32 s5, s9  }
0xb: {  	s7 =	smax.u32 s10, $0x1;
	s9 =	simm.s32 $0x1;
	s10 =	simm.s32 $0x80  }
0xc: {  	v0 =	vimm.f32 $0.0e+00;
	v1 =	vimm.f32 $1.000000000e+00;
	s6 =	sadd.s32 $0x800, s8;
	s8 =	simm.s32 $0x2880;
	s13 =	sshrl.u32 s4, $0x3  }
.LBB2_1:
0xd: {  	[tilespmem:$0x2880] =	vst v0  }
0xe: {  	[tilespmem:$0x2890] =	vst v0  }
0xf: {  	[tilespmem:$0x28A0] =	vst v0  }
0x10: {  	[tilespmem:$0x28B0] =	vst v0  }
0x11: {  	[tilespmem:$0x28C0] =	vst v0  }
0x12: {  	[tilespmem:$0x28D0] =	vst v0  }
0x13: {  	[tilespmem:$0x28E0] =	vst v0  }
0x14: {  	[tilespmem:$0x28F0] =	vst v0  }
0x15: {  	[tilespmem:$0x2900] =	vst v0  }
0x16: {  	[tilespmem:$0x2910] =	vst v0  }
0x17: {  	[tilespmem:$0x2920] =	vst v0  }
0x18: {  	[tilespmem:$0x2930] =	vst v0  }
0x19: {  	[tilespmem:$0x2940] =	vst v0  }
0x1a: {  	[tilespmem:$0x2950] =	vst v0  }
0x1b: {  	[tilespmem:$0x2960] =	vst v0  }
0x1c: {  	[tilespmem:$0x2970] =	vst v0  }
0x1d: {  	[tilespmem:$0x2980] =	vst v0  }
0x1e: {  	[tilespmem:$0x2990] =	vst v0  }
0x1f: {  	[tilespmem:$0x29A0] =	vst v0  }
0x20: {  	[tilespmem:$0x29B0] =	vst v0  }
0x21: {  	[tilespmem:$0x29C0] =	vst v0  }
0x22: {  	[tilespmem:$0x29D0] =	vst v0  }
0x23: {  	[tilespmem:$0x29E0] =	vst v0  }
0x24: {  	[tilespmem:$0x29F0] =	vst v0  }
0x25: {  	[tilespmem:$0x2A00] =	vst v0  }
0x26: {  	[tilespmem:$0x2A10] =	vst v0  }
0x27: {  	[tilespmem:$0x2A20] =	vst v0  }
0x28: {  	[tilespmem:$0x2A30] =	vst v0  }
0x29: {  	[tilespmem:$0x2A40] =	vst v0  }
0x2a: {  	[tilespmem:$0x2A50] =	vst v0  }
0x2b: {  	[tilespmem:$0x2A60] =	vst v0  }
0x2c: {  	[tilespmem:$0x2A70] =	vst v0  }
0x2d: {  	[tilespmem:$0x2A80] =	vst v0  }
0x2e: {  	[tilespmem:$0x2A90] =	vst v0  }
0x2f: {  	[tilespmem:$0x2AA0] =	vst v0  }
0x30: {  	[tilespmem:$0x2AB0] =	vst v0  }
0x31: {  	[tilespmem:$0x2AC0] =	vst v0  }
0x32: {  	[tilespmem:$0x2AD0] =	vst v0  }
0x33: {  	[tilespmem:$0x2AE0] =	vst v0  }
0x34: {  	[tilespmem:$0x2AF0] =	vst v0  }
0x35: {  	[spmem:s4] =	stream.linear.scatter [tilespmem:s8], [sflag:$0x1], $0x280, $0x38;
	[tilespmem:$0x2D80] =	vst v63  }
0x36: {  	_ =	swait.ge [sflag:s9], $0x280  }
0x37: {  	[sflag:s9] =	ssyncset.done $0x0  }
0x38: {  	[sflag:s9] =	ssyncadd.s32 $0xFFFFFD80  }
0x39: {  	[tilespmem:$0x2800] =	vst v1  }
0x3a: {  	[tilespmem:$0x2810] =	vst v1  }
0x3b: {  	[tilespmem:$0x2820] =	vst v1  }
0x3c: {  	[tilespmem:$0x2830] =	vst v1  }
0x3d: {  	[tilespmem:$0x2840] =	vst v1  }
0x3e: {  	[tilespmem:$0x2850] =	vst v1  }
0x3f: {  	[tilespmem:$0x2860] =	vst v1  }
0x40: {  	[tilespmem:$0x2870] =	vst v1  }
0x41: {  	[tilespmem:s3], [sflag:$0x1] =	stream.linear.gather [hbm4b:s5+s3], $0x2800, $0x38;
	[tilespmem:$0x2D80] =	vst v63  }
0x42: {  	_ =	swait.ge [sflag:s9], $0x2800  }
0x43: {  	[sflag:s9] =	ssyncset.done $0x0  }
0x44: {  	[sflag:s9] =	ssyncadd.s32 $0xFFFFD800  }
0x45: {  	s15 =	simm.s32 $0x0;
	[bflag:$0x0] =	sbarrier.arrive $0xFFFF  }
0x46: {  	[spmem:s2] =	stream.indirect.scatter.add.f32 [tilespmem:s11], [sflag:$0x1], $0x1, s15, s10, $0xb8;
	[tilespmem:$0x2D80] =	vst v63  }
0x47: {  	_ =	swait.ge [sflag:s9], $0x80  }
0x48: {  	s15 =	simm.s32 $0x200;
	[sflag:s9] =	ssyncset.done $0x0  }
.LBB2_2:
0x49: {  	s16 =	sshra.s32 s15, $0x2;
	[sflag:s9] =	ssyncadd.s32 $0xFFFFFF80;
	p0 =	sne.s32 s15, $0x9E00  }
0x4a: {  	[spmem:s2] =	stream.indirect.scatter.add.f32 [tilespmem:s11], [sflag:$0x1], $0x1, s16, s10, $0xb8;
	[tilespmem:$0x2D80] =	vst v63  }
.Ltmp0:
0x4b: {  	_ = 	snop;
	(pc) =	sbr.rel @p0 .LBB2_2-.Ltmp0, $4  }
0x4c: {  	_ = 	snop  }
0x4d: {  	s15 =	sadd.s32 $0x200, s15  }
0x4e: {  	_ =	swait.ge [sflag:s9], $0x80  }
0x4f: {  	[sflag:s9] =	ssyncset.done $0x0  }
0x50: {  	s14 =	sadd.s32 $0x1, s14  }
0x51: {  	[sflag:s9] =	ssyncadd.s32 $0xFFFFFF80;
	p0 =	sne.s32 s14, s7  }
.Ltmp1:
0x52: {  	[bflag:$0x0] =	sbarrier.arrive $0xFFFF;
	(pc) =	sbr.rel @p0 .LBB2_1-.Ltmp1, $4  }
0x53: {  	[hbm:s6], [sflag:s12] =	dma.local [spmem:s13], $0x50  }
0x54: {  	_ =	swait.ge [sflag:s9], $0x50  }
0x55: {  	[sflag:s9] =	ssyncset.done $0x0  }
0x56: {  	[sflag:s9] =	ssyncadd.s32 $0xFFFFFFB0  }
0x57: {  	_ =	sfence.sel $0x180000  }
0x58: {  	[bflag:$0x0] =	sbarrier.arrive $0xFFFF  }
0x59: {  	p0 =	sne.s32 s0, $0x0;
	_ =	strace $0x90000047  }
0x5a: {  	s0 =	sadd.s32 @!p0 $0x100000, s1;
	[bflag:$0x2] =	sbarrier.arrive $0xFFFF  }
0x5b: {  	[sflag:s0] =	ssyncadd.tile.s32 @!p0 $0x1;
	_ =	shalt  }
.Lfunc_end2:
_tile_overlayer_lowered:
.L_overlay_start_2:
0x5c: {  	(tag) =	ssettag $0x2  }
0x5d: {  	s0 =	rddreg [dreg:$0x0];
	s2 =	stileid.u32  }
0x5e: {  	s1 =	rddreg [dreg:$0x1];
	p0 =	sne.s32 s2, $0x0  }
0x5f: {  	s3 =	rddreg [dreg:$0x2];
	[bflag:$0x3] =	sbarrier.arrive $0xFFFF;
	s2 =	simm.s32 @!p0 $0x1C01  }
0x60: {  	[timem:s3], [sflag:s2] =	dma.local @!p0 [hbm:s0], s1  }
0x61: {  	s0 =	simm.s32 @!p0 $0x1  }
0x62: {  	_ =	swait.ge @!p0 [sflag:s0], s1  }
0x63: {  	s1 =	ssub.s32 @!p0 $0x0, s1;
	[sflag:s0] =	ssyncset.done @!p0 $0x0  }
0x64: {  	[sflag:s0] =	ssyncadd.s32 @!p0 s1  }
0x65: {  	[bflag:$0x3] =	sbarrier.arrive $0xFFFF  }
0x66: {  	_ =	shalt  }

</sc_bundles>
